<compile_context>
chip_gen: v7x
topology: tpu7x:2x2x1
jax: 0.10.2.dev20260603
libtpu: 0.0.44.dev20260713+nightly
codegen_flags: <defaults>
</compile_context>

<pallas_src>
import functools
import jax
import jax.numpy as jnp
from jax import lax
from jax.experimental import pallas as pl
from jax.experimental.pallas import tpu as pltpu, tpu_sc as plsc

_N = 10000
_E = 320000
_D = 128
_H = 128
_C = 8

_NC = 2
_NS = 16
_NW = _NC * _NS
_CH = 64
_NCHUNK = 160
_IGRP = 16
_EPT = _CH * _NCHUNK
_EPAD = _EPT * _NW
_DW = 128
_RPT = 632
_NPAD = _RPT * _NS

@functools.lru_cache(maxsize=None)
def _make_deg_kernel():
    mesh = plsc.VectorSubcoreMesh(core_axis_name="c", subcore_axis_name="s")

    @functools.partial(
        pl.kernel,
        out_type=jax.ShapeDtypeStruct((_NC, _NPAD, _DW), jnp.float32),
        mesh=mesh,
        scratch_types=[
            pltpu.VMEM((_NCHUNK, _CH), jnp.int32),
            pltpu.VMEM((_CH, _DW), jnp.float32),
            pltpu.VMEM_SHARED((_NPAD, _DW), jnp.float32),
        ],
    )
    def deg(dst_hbm, ones_hbm, zeros_hbm, out_hbm, idx_v, ones_v, acc_sh):
        cid = lax.axis_index("c")
        sid = lax.axis_index("s")
        wid = cid * _NS + sid
        pltpu.sync_copy(dst_hbm.at[wid], idx_v)
        pltpu.sync_copy(ones_hbm, ones_v)
        pltpu.sync_copy(zeros_hbm.at[pl.ds(sid * _RPT, _RPT)],
                        acc_sh.at[pl.ds(sid * _RPT, _RPT)])
        plsc.subcore_barrier()

        def step(j, carry):
            pltpu.sync_copy(ones_v, acc_sh.at[idx_v.at[j]], add=True)
            return carry

        lax.fori_loop(0, _NCHUNK, step, 0)
        plsc.subcore_barrier()
        pltpu.sync_copy(acc_sh.at[pl.ds(sid * _RPT, _RPT)],
                        out_hbm.at[cid].at[pl.ds(sid * _RPT, _RPT)])

    return deg


@functools.lru_cache(maxsize=None)
def _make_agg_kernel(hd):
    mesh = plsc.VectorSubcoreMesh(core_axis_name="c", subcore_axis_name="s")

    @functools.partial(
        pl.kernel,
        out_type=jax.ShapeDtypeStruct((_NC, _NPAD, hd), jnp.float32),
        mesh=mesh,
        scratch_types=[
            pltpu.VMEM((_IGRP, _CH), jnp.int32),
            pltpu.VMEM((_IGRP, _CH), jnp.int32),
            pltpu.VMEM((_CH, hd), jnp.float32),
            pltpu.VMEM((_CH, hd), jnp.float32),
            pltpu.VMEM_SHARED((_NPAD, hd), jnp.float32),
            pltpu.SemaphoreType.DMA,
            pltpu.SemaphoreType.DMA,
        ],
    )
    def agg(h_hbm, src_hbm, dst_hbm, zeros_hbm, out_hbm,
            src_v, dst_v, rows_a, rows_b, acc_sh, sem_a, sem_b):
        cid = lax.axis_index("c")
        sid = lax.axis_index("s")
        wid = cid * _NS + sid
        pltpu.sync_copy(zeros_hbm.at[pl.ds(sid * _RPT, _RPT)],
                        acc_sh.at[pl.ds(sid * _RPT, _RPT)])
        plsc.subcore_barrier()

        def half_step(j, rows_v, sem):
            pltpu.make_async_copy(h_hbm.at[src_v.at[j]], rows_v, sem).wait()
            pltpu.sync_copy(rows_v, acc_sh.at[dst_v.at[j]], add=True)

            @pl.when(j + 2 < _IGRP)
            def _():
                pltpu.async_copy(h_hbm.at[src_v.at[j + 2]], rows_v, sem)

        def group(g, carry):
            pltpu.sync_copy(src_hbm.at[wid].at[pl.ds(g * _IGRP, _IGRP)],
                            src_v)
            pltpu.sync_copy(dst_hbm.at[wid].at[pl.ds(g * _IGRP, _IGRP)],
                            dst_v)
            pltpu.async_copy(h_hbm.at[src_v.at[0]], rows_a, sem_a)
            pltpu.async_copy(h_hbm.at[src_v.at[1]], rows_b, sem_b)

            def step(i, carry2):
                half_step(2 * i, rows_a, sem_a)
                half_step(2 * i + 1, rows_b, sem_b)
                return carry2

            lax.fori_loop(0, _IGRP // 2, step, 0)
            return carry

        lax.fori_loop(0, _NCHUNK // _IGRP, group, 0)
        plsc.subcore_barrier()
        pltpu.sync_copy(acc_sh.at[pl.ds(sid * _RPT, _RPT)],
                        out_hbm.at[cid].at[pl.ds(sid * _RPT, _RPT)])

    return agg


_BLK = 1000


def _dinv_of(deg_ref):
    deg = deg_ref[0, :, 0] + deg_ref[1, :, 0] + 1.0
    return lax.rsqrt(jnp.maximum(deg, 1.0))


def _mm1_body(deg_ref, x_ref, w_ref, o_ref):
    dinv = _dinv_of(deg_ref)
    o_ref[...] = (x_ref[...] @ w_ref[...]) * dinv[:, None]


def _mm2_body(deg_ref, p_ref, hp_ref, b_ref, w_ref, o_ref):
    dinv = _dinv_of(deg_ref)
    agg = p_ref[0] + p_ref[1] + hp_ref[...]
    h = jnp.maximum(agg * dinv[:, None] + b_ref[...], 0.0)
    res = (h @ w_ref[...]) * dinv[:, None]
    o_ref[...] = jnp.concatenate([res, jnp.zeros_like(res)], axis=1)


def _mm3_body(deg_ref, p_ref, hp_ref, b_ref, w_ref, bfc_ref, o_ref):
    dinv = _dinv_of(deg_ref)
    agg = (p_ref[0] + p_ref[1] + hp_ref[...])[:, : _H // 2]
    h = jnp.maximum(agg * dinv[:, None] + b_ref[...], 0.0)
    logits = h @ w_ref[...] + bfc_ref[...]
    m = jnp.max(logits, axis=1, keepdims=True)
    lse = m + jnp.log(jnp.sum(jnp.exp(logits - m), axis=1, keepdims=True))
    o_ref[...] = logits - lse


def _row_block(nd):
    return pl.BlockSpec((_BLK, nd), lambda i: (i, 0))


def _deg_block():
    return pl.BlockSpec((2, _BLK, _DW), lambda i: (0, i, 0))


def _part_block(nd):
    return pl.BlockSpec((2, _BLK, nd), lambda i: (0, i, 0))


def _full(shape):
    return pl.BlockSpec(shape, lambda i: tuple(0 for _ in shape))


def kernel(x, edge_index, W1, b1, W2, b2, Wfc, bfc):
    src = edge_index[0]
    dst = edge_index[1]
    npad = _EPAD - _E
    src3 = jnp.concatenate(
        [src, jnp.zeros((npad,), jnp.int32)]).reshape(_NW, _NCHUNK, _CH)
    dst3 = jnp.concatenate(
        [dst, jnp.full((npad,), _N, jnp.int32)]).reshape(_NW, _NCHUNK, _CH)

    ones8 = jnp.ones((_CH, _DW), jnp.float32)
    z8 = jnp.zeros((_NPAD, _DW), jnp.float32)
    z128 = jnp.zeros((_NPAD, _H), jnp.float32)

    degp = _make_deg_kernel()(dst3, ones8, z8)[:, :_N, :]

    grid = (_N // _BLK,)
    h1p = pl.pallas_call(
        _mm1_body,
        grid=grid,
        in_specs=[_deg_block(), _row_block(_D), _full((_D, _H))],
        out_specs=_row_block(_H),
        out_shape=jax.ShapeDtypeStruct((_N, _H), jnp.float32),
    )(degp, x, W1)

    p1 = _make_agg_kernel(_H)(h1p, src3, dst3, z128)[:, :_N, :]

    h2p = pl.pallas_call(
        _mm2_body,
        grid=grid,
        in_specs=[_deg_block(), _part_block(_H), _row_block(_H),
                  _full((1, _H)), _full((_H, _H // 2))],
        out_specs=_row_block(_H),
        out_shape=jax.ShapeDtypeStruct((_N, _H), jnp.float32),
    )(degp, p1, h1p, b1.reshape(1, _H), W2)

    p2 = _make_agg_kernel(_H)(h2p, src3, dst3, z128)[:, :_N, :]

    out = pl.pallas_call(
        _mm3_body,
        grid=grid,
        in_specs=[_deg_block(), _part_block(_H), _row_block(_H),
                  _full((1, _H // 2)), _full((_H // 2, _C)), _full((1, _C))],
        out_specs=_row_block(_C),
        out_shape=jax.ShapeDtypeStruct((_N, _C), jnp.float32),
    )(degp, p2, h2p, b2.reshape(1, _H // 2), Wfc, bfc.reshape(1, _C))

    return out

# --- scband reference (transcript-rebuilt; emitter-appended) ---
"""Pipeline reference for scband-emotional-graph-nn-27814208209785 (READ-ONLY COPY).

The authoritative reference and input builder live on the scoring server;
editing this copy changes nothing except your own understanding.
"""

import jax, jax.numpy as jnp
import numpy as np

N = 10000
E = 320000
D = 128
H = 128
C = 8


def setup_inputs(seed: int = 0) -> dict:
    key = jax.random.key(seed)
    ks = jax.random.split(key, 9)
    x = jax.random.normal(ks[0], (N, D), dtype=jnp.float32)
    edge_index = jax.random.randint(ks[1], (2, E), 0, N, dtype=jnp.int32)
    W1 = jax.random.normal(ks[2], (D, H), dtype=jnp.float32) / np.sqrt(D)
    b1 = jnp.zeros((H,), dtype=jnp.float32)
    W2 = jax.random.normal(ks[3], (H, H // 2), dtype=jnp.float32) / np.sqrt(H)
    b2 = jnp.zeros((H // 2,), dtype=jnp.float32)
    Wfc = jax.random.normal(ks[4], (H // 2, C), dtype=jnp.float32) / np.sqrt(H // 2)
    bfc = jnp.zeros((C,), dtype=jnp.float32)
    return {"x": x, "edge_index": edge_index, "W1": W1, "b1": b1, "W2": W2, "b2": b2, "Wfc": Wfc, "bfc": bfc}


def gcn_conv(x, src, dst, W, b):
    # GCNConv (Kipf & Welling): add self-loops, symmetric normalization,
    # out = D^{-1/2} (A + I) D^{-1/2} X W + b
    n = x.shape[0]
    loop = jnp.arange(n, dtype=src.dtype)
    s = jnp.concatenate([src, loop])
    d = jnp.concatenate([dst, loop])
    deg = jnp.zeros((n,), dtype=x.dtype).at[d].add(1.0)
    dinv = jax.lax.rsqrt(jnp.maximum(deg, 1.0))
    norm = dinv[s] * dinv[d]
    h = x @ W
    msg = h[s] * norm[:, None]
    out = jnp.zeros((n, h.shape[1]), dtype=x.dtype).at[d].add(msg)
    return out + b


def reference(x, edge_index, W1, b1, W2, b2, Wfc, bfc):
    src = edge_index[0]
    dst = edge_index[1]
    h = jax.nn.relu(gcn_conv(x, src, dst, W1, b1))
    h = jax.nn.relu(gcn_conv(h, src, dst, W2, b2))
    logits = h @ Wfc + bfc
    return jax.nn.log_softmax(logits, axis=1)

if __name__ == "__main__":
    import jax
    _d = setup_inputs()
    print(jax.jit(kernel)(*tuple(_d.values())))

</pallas_src>

<mosaic_0001>
#map = affine_map<(d0, d1) -> (0, 0, 0)>
#map1 = affine_map<(d0, d1) -> (0, 0)>
module attributes {stable_mosaic.version = 14 : i64} {
  func.func @deg(%arg0: i32, %arg1: i32, %arg2: memref<32x160x64xi32, #tpu.memory_space<hbm>>, %arg3: memref<64x128xf32, #tpu.memory_space<hbm>>, %arg4: memref<10112x128xf32, #tpu.memory_space<hbm>>, %arg5: memref<2x10112x128xf32, #tpu.memory_space<hbm>>, %arg6: memref<160x64xi32, #tpu.memory_space<vmem>>, %arg7: memref<64x128xf32, #tpu.memory_space<vmem>>, %arg8: memref<10112x128xf32, #tpu.memory_space<vmem_shared>>) attributes {dimension_semantics = [#tpu.dimension_semantics<core_parallel>, #tpu.dimension_semantics<subcore_parallel>], iteration_bounds = array<i64: 2, 16>, scalar_prefetch = 0 : i64, scratch_operands = 3 : i64, tpu.core_type = #tpu.core_type<sc_vector_subcore>, window_params = [{transform_indices = #map}, {transform_indices = #map1}, {transform_indices = #map1}, {transform_indices = #map}]} {
    %mul3A = arith.constant 16 : i32
    %mul3A_0 = arith.muli %arg0, %mul3A : i32
    %add3A = arith.addi %mul3A_0, %arg1 : i32
    "tpu.region"() ({
      %run_scoped3A = tpu.sem_alloc : memref<!tpu.dma_semaphore, #tpu.memory_space<semaphore_mem>>
      %dma_start3A = arith.constant 0 : i32
      %dma_start3A_15 = arith.constant 0 : i32
      %dma_start3A_16 = tpu.memref_slice %arg2[%add3A, %dma_start3A, %dma_start3A_15] : memref<32x160x64xi32, #tpu.memory_space<hbm>> -> memref<1x160x64xi32, #tpu.memory_space<hbm>>
      %dma_start3A_17 = tpu.memref_squeeze %dma_start3A_16 : memref<1x160x64xi32, #tpu.memory_space<hbm>> -> memref<160x64xi32, #tpu.memory_space<hbm>>
      %dma_start3A_18 = arith.constant 0 : i32
      %dma_start3A_19 = arith.constant 0 : i32
      %dma_start3A_20 = tpu.memref_slice %arg2[%add3A, %dma_start3A_18, %dma_start3A_19] : memref<32x160x64xi32, #tpu.memory_space<hbm>> -> memref<1x160x64xi32, #tpu.memory_space<hbm>>
      %dma_start3A_21 = tpu.memref_squeeze %dma_start3A_20 : memref<1x160x64xi32, #tpu.memory_space<hbm>> -> memref<160x64xi32, #tpu.memory_space<hbm>>
      tpu.enqueue_dma source(%dma_start3A_21 : memref<160x64xi32, #tpu.memory_space<hbm>>) target(%arg6 : memref<160x64xi32, #tpu.memory_space<vmem>>) target_semaphore(%run_scoped3A : memref<!tpu.dma_semaphore, #tpu.memory_space<semaphore_mem>>)
      %dma_wait3A = arith.constant 0 : i32
      %dma_wait3A_22 = arith.constant 0 : i32
      %dma_wait3A_23 = tpu.memref_slice %arg2[%add3A, %dma_wait3A, %dma_wait3A_22] : memref<32x160x64xi32, #tpu.memory_space<hbm>> -> memref<1x160x64xi32, #tpu.memory_space<hbm>>
      %dma_wait3A_24 = tpu.memref_squeeze %dma_wait3A_23 : memref<1x160x64xi32, #tpu.memory_space<hbm>> -> memref<160x64xi32, #tpu.memory_space<hbm>>
      %dma_wait3A_25 = arith.constant 0 : i32
      %dma_wait3A_26 = arith.constant 0 : i32
      %dma_wait3A_27 = tpu.memref_slice %arg2[%add3A, %dma_wait3A_25, %dma_wait3A_26] : memref<32x160x64xi32, #tpu.memory_space<hbm>> -> memref<1x160x64xi32, #tpu.memory_space<hbm>>
      %dma_wait3A_28 = tpu.memref_squeeze %dma_wait3A_27 : memref<1x160x64xi32, #tpu.memory_space<hbm>> -> memref<160x64xi32, #tpu.memory_space<hbm>>
      tpu.wait_dma2 semaphore(%run_scoped3A : memref<!tpu.dma_semaphore, #tpu.memory_space<semaphore_mem>>) src(%dma_wait3A_28 : memref<160x64xi32, #tpu.memory_space<hbm>>) dst(%arg6 : memref<160x64xi32, #tpu.memory_space<vmem>>)
      tpu.yield
    }) : () -> ()
    "tpu.region"() ({
      %run_scoped3A = tpu.sem_alloc : memref<!tpu.dma_semaphore, #tpu.memory_space<semaphore_mem>>
      tpu.enqueue_dma source(%arg3 : memref<64x128xf32, #tpu.memory_space<hbm>>) target(%arg7 : memref<64x128xf32, #tpu.memory_space<vmem>>) target_semaphore(%run_scoped3A : memref<!tpu.dma_semaphore, #tpu.memory_space<semaphore_mem>>)
      tpu.wait_dma2 semaphore(%run_scoped3A : memref<!tpu.dma_semaphore, #tpu.memory_space<semaphore_mem>>) src(%arg3 : memref<64x128xf32, #tpu.memory_space<hbm>>) dst(%arg7 : memref<64x128xf32, #tpu.memory_space<vmem>>)
      tpu.yield
    }) : () -> ()
    %mul3A_1 = arith.constant 632 : i32
    %mul3A_2 = arith.muli %arg1, %mul3A_1 : i32
    %mul3A_3 = arith.constant 632 : i32
    %mul3A_4 = arith.muli %arg1, %mul3A_3 : i32
    "tpu.region"() ({
      %run_scoped3A = tpu.sem_alloc : memref<!tpu.dma_semaphore, #tpu.memory_space<semaphore_mem>>
      %dma_start3A = arith.constant 0 : i32
      %dma_start3A_15 = tpu.memref_slice %arg8[%mul3A_4, %dma_start3A] : memref<10112x128xf32, #tpu.memory_space<vmem_shared>> -> memref<632x128xf32, #tpu.memory_space<vmem_shared>>
      %dma_start3A_16 = arith.constant 0 : i32
      %dma_start3A_17 = tpu.memref_slice %arg4[%mul3A_2, %dma_start3A_16] : memref<10112x128xf32, #tpu.memory_space<hbm>> -> memref<632x128xf32, #tpu.memory_space<hbm>>
      tpu.enqueue_dma source(%dma_start3A_17 : memref<632x128xf32, #tpu.memory_space<hbm>>) target(%dma_start3A_15 : memref<632x128xf32, #tpu.memory_space<vmem_shared>>) target_semaphore(%run_scoped3A : memref<!tpu.dma_semaphore, #tpu.memory_space<semaphore_mem>>)
      %dma_wait3A = arith.constant 0 : i32
      %dma_wait3A_18 = tpu.memref_slice %arg8[%mul3A_4, %dma_wait3A] : memref<10112x128xf32, #tpu.memory_space<vmem_shared>> -> memref<632x128xf32, #tpu.memory_space<vmem_shared>>
      %dma_wait3A_19 = arith.constant 0 : i32
      %dma_wait3A_20 = tpu.memref_slice %arg4[%mul3A_2, %dma_wait3A_19] : memref<10112x128xf32, #tpu.memory_space<hbm>> -> memref<632x128xf32, #tpu.memory_space<hbm>>
      tpu.wait_dma2 semaphore(%run_scoped3A : memref<!tpu.dma_semaphore, #tpu.memory_space<semaphore_mem>>) src(%dma_wait3A_20 : memref<632x128xf32, #tpu.memory_space<hbm>>) dst(%dma_wait3A_18 : memref<632x128xf32, #tpu.memory_space<vmem_shared>>)
      tpu.yield
    }) : () -> ()
    %barrier3A = arith.constant 0 : index
    tpu.barrier barrier_id(%barrier3A)
    %scan3A = arith.constant 0 : i32
    %scan3A_5 = arith.constant 0 : i32
    %scan3A_6 = arith.constant 160 : i32
    %scan3A_7 = arith.addi %scan3A_5, %scan3A_6 : i32
    %scan3A_8 = arith.constant 1 : i32
    scf.for %scan3A_15 = %scan3A_5 to %scan3A_7 step %scan3A_8  : i32 {
      "tpu.region"() ({
        %run_scoped3A = tpu.sem_alloc : memref<!tpu.dma_semaphore, #tpu.memory_space<semaphore_mem>>
        %dma_start3A = arith.constant 0 : i32
        %dma_start3A_16 = tpu.memref_slice %arg6[%scan3A_15, %dma_start3A] : memref<160x64xi32, #tpu.memory_space<vmem>> -> memref<1x64xi32, #tpu.memory_space<vmem>>
        %dma_start3A_17 = tpu.memref_squeeze %dma_start3A_16 : memref<1x64xi32, #tpu.memory_space<vmem>> -> memref<64xi32, #tpu.memory_space<vmem>>
        %dma_start3A_18 = arith.constant 0 : i32
        %dma_start3A_19 = arith.constant 0 : i32
        %dma_start3A_20 = tpu.memref_slice %arg8[%dma_start3A_18, %dma_start3A_19] : memref<10112x128xf32, #tpu.memory_space<vmem_shared>> -> memref<10112x128xf32, #tpu.memory_space<vmem_shared>>
        tpu.enqueue_indirect_dma source(%arg7 : memref<64x128xf32, #tpu.memory_space<vmem>>) target(%dma_start3A_20 : memref<10112x128xf32, #tpu.memory_space<vmem_shared>>) offsets(%dma_start3A_17 : memref<64xi32, #tpu.memory_space<vmem>>) semaphore(%run_scoped3A : memref<!tpu.dma_semaphore, #tpu.memory_space<semaphore_mem>>) {add = true}
        %dma_wait3A = arith.constant 0 : i32
        %dma_wait3A_21 = tpu.memref_slice %arg6[%scan3A_15, %dma_wait3A] : memref<160x64xi32, #tpu.memory_space<vmem>> -> memref<1x64xi32, #tpu.memory_space<vmem>>
        %dma_wait3A_22 = tpu.memref_squeeze %dma_wait3A_21 : memref<1x64xi32, #tpu.memory_space<vmem>> -> memref<64xi32, #tpu.memory_space<vmem>>
        %dma_wait3A_23 = arith.constant 0 : i32
        %dma_wait3A_24 = arith.constant 0 : i32
        %dma_wait3A_25 = tpu.memref_slice %arg8[%dma_wait3A_23, %dma_wait3A_24] : memref<10112x128xf32, #tpu.memory_space<vmem_shared>> -> memref<10112x128xf32, #tpu.memory_space<vmem_shared>>
        tpu.wait_indirect_dma semaphore(%run_scoped3A : memref<!tpu.dma_semaphore, #tpu.memory_space<semaphore_mem>>) src(%arg7 : memref<64x128xf32, #tpu.memory_space<vmem>>) dst(%dma_wait3A_25 : memref<10112x128xf32, #tpu.memory_space<vmem_shared>>)
        tpu.yield
      }) : () -> ()
    }
    %scan3A_9 = arith.constant 160 : i32
    %barrier3A_10 = arith.constant 0 : index
    tpu.barrier barrier_id(%barrier3A_10)
    %mul3A_11 = arith.constant 632 : i32
    %mul3A_12 = arith.muli %arg1, %mul3A_11 : i32
    %mul3A_13 = arith.constant 632 : i32
    %mul3A_14 = arith.muli %arg1, %mul3A_13 : i32
    "tpu.region"() ({
      %run_scoped3A = tpu.sem_alloc : memref<!tpu.dma_semaphore, #tpu.memory_space<semaphore_mem>>
      %dma_start3A = arith.constant 0 : i32
      %dma_start3A_15 = arith.constant 0 : i32
      %dma_start3A_16 = tpu.memref_slice %arg5[%arg0, %dma_start3A, %dma_start3A_15] : memref<2x10112x128xf32, #tpu.memory_space<hbm>> -> memref<1x10112x128xf32, #tpu.memory_space<hbm>>
      %dma_start3A_17 = tpu.memref_squeeze %dma_start3A_16 : memref<1x10112x128xf32, #tpu.memory_space<hbm>> -> memref<10112x128xf32, #tpu.memory_space<hbm>>
      %dma_start3A_18 = arith.constant 0 : i32
      %dma_start3A_19 = tpu.memref_slice %dma_start3A_17[%mul3A_14, %dma_start3A_18] : memref<10112x128xf32, #tpu.memory_space<hbm>> -> memref<632x128xf32, #tpu.memory_space<hbm>>
      %dma_start3A_20 = arith.constant 0 : i32
      %dma_start3A_21 = tpu.memref_slice %arg8[%mul3A_12, %dma_start3A_20] : memref<10112x128xf32, #tpu.memory_space<vmem_shared>> -> memref<632x128xf32, #tpu.memory_space<vmem_shared>>
      tpu.enqueue_dma source(%dma_start3A_21 : memref<632x128xf32, #tpu.memory_space<vmem_shared>>) target(%dma_start3A_19 : memref<632x128xf32, #tpu.memory_space<hbm>>) target_semaphore(%run_scoped3A : memref<!tpu.dma_semaphore, #tpu.memory_space<semaphore_mem>>)
      %dma_wait3A = arith.constant 0 : i32
      %dma_wait3A_22 = arith.constant 0 : i32
      %dma_wait3A_23 = tpu.memref_slice %arg5[%arg0, %dma_wait3A, %dma_wait3A_22] : memref<2x10112x128xf32, #tpu.memory_space<hbm>> -> memref<1x10112x128xf32, #tpu.memory_space<hbm>>
      %dma_wait3A_24 = tpu.memref_squeeze %dma_wait3A_23 : memref<1x10112x128xf32, #tpu.memory_space<hbm>> -> memref<10112x128xf32, #tpu.memory_space<hbm>>
      %dma_wait3A_25 = arith.constant 0 : i32
      %dma_wait3A_26 = tpu.memref_slice %dma_wait3A_24[%mul3A_14, %dma_wait3A_25] : memref<10112x128xf32, #tpu.memory_space<hbm>> -> memref<632x128xf32, #tpu.memory_space<hbm>>
      %dma_wait3A_27 = arith.constant 0 : i32
      %dma_wait3A_28 = tpu.memref_slice %arg8[%mul3A_12, %dma_wait3A_27] : memref<10112x128xf32, #tpu.memory_space<vmem_shared>> -> memref<632x128xf32, #tpu.memory_space<vmem_shared>>
      tpu.wait_dma2 semaphore(%run_scoped3A : memref<!tpu.dma_semaphore, #tpu.memory_space<semaphore_mem>>) src(%dma_wait3A_28 : memref<632x128xf32, #tpu.memory_space<vmem_shared>>) dst(%dma_wait3A_26 : memref<632x128xf32, #tpu.memory_space<hbm>>)
      tpu.yield
    }) : () -> ()
    return
  }
}

#map = affine_map<(d0, d1) -> (0, 0)>
#map1 = affine_map<(d0, d1) -> (0, 0, 0)>
module attributes {stable_mosaic.version = 14 : i64} {
  func.func @agg(%arg0: i32, %arg1: i32, %arg2: memref<10000x128xf32, #tpu.memory_space<hbm>>, %arg3: memref<32x160x64xi32, #tpu.memory_space<hbm>>, %arg4: memref<32x160x64xi32, #tpu.memory_space<hbm>>, %arg5: memref<10112x128xf32, #tpu.memory_space<hbm>>, %arg6: memref<2x10112x128xf32, #tpu.memory_space<hbm>>, %arg7: memref<16x64xi32, #tpu.memory_space<vmem>>, %arg8: memref<16x64xi32, #tpu.memory_space<vmem>>, %arg9: memref<64x128xf32, #tpu.memory_space<vmem>>, %arg10: memref<64x128xf32, #tpu.memory_space<vmem>>, %arg11: memref<10112x128xf32, #tpu.memory_space<vmem_shared>>, %arg12: memref<!tpu.dma_semaphore, #tpu.memory_space<semaphore_mem>>, %arg13: memref<!tpu.dma_semaphore, #tpu.memory_space<semaphore_mem>>) attributes {dimension_semantics = [#tpu.dimension_semantics<core_parallel>, #tpu.dimension_semantics<subcore_parallel>], iteration_bounds = array<i64: 2, 16>, scalar_prefetch = 0 : i64, scratch_operands = 7 : i64, tpu.core_type = #tpu.core_type<sc_vector_subcore>, window_params = [{transform_indices = #map}, {transform_indices = #map1}, {transform_indices = #map1}, {transform_indices = #map}, {transform_indices = #map1}]} {
    %mul3A = arith.constant 16 : i32
    %mul3A_0 = arith.muli %arg0, %mul3A : i32
    %add3A = arith.addi %mul3A_0, %arg1 : i32
    %mul3A_1 = arith.constant 632 : i32
    %mul3A_2 = arith.muli %arg1, %mul3A_1 : i32
    %mul3A_3 = arith.constant 632 : i32
    %mul3A_4 = arith.muli %arg1, %mul3A_3 : i32
    "tpu.region"() ({
      %run_scoped3A = tpu.sem_alloc : memref<!tpu.dma_semaphore, #tpu.memory_space<semaphore_mem>>
      %dma_start3A = arith.constant 0 : i32
      %dma_start3A_15 = tpu.memref_slice %arg11[%mul3A_4, %dma_start3A] : memref<10112x128xf32, #tpu.memory_space<vmem_shared>> -> memref<632x128xf32, #tpu.memory_space<vmem_shared>>
      %dma_start3A_16 = arith.constant 0 : i32
      %dma_start3A_17 = tpu.memref_slice %arg5[%mul3A_2, %dma_start3A_16] : memref<10112x128xf32, #tpu.memory_space<hbm>> -> memref<632x128xf32, #tpu.memory_space<hbm>>
      tpu.enqueue_dma source(%dma_start3A_17 : memref<632x128xf32, #tpu.memory_space<hbm>>) target(%dma_start3A_15 : memref<632x128xf32, #tpu.memory_space<vmem_shared>>) target_semaphore(%run_scoped3A : memref<!tpu.dma_semaphore, #tpu.memory_space<semaphore_mem>>)
      %dma_wait3A = arith.constant 0 : i32
      %dma_wait3A_18 = tpu.memref_slice %arg11[%mul3A_4, %dma_wait3A] : memref<10112x128xf32, #tpu.memory_space<vmem_shared>> -> memref<632x128xf32, #tpu.memory_space<vmem_shared>>
      %dma_wait3A_19 = arith.constant 0 : i32
      %dma_wait3A_20 = tpu.memref_slice %arg5[%mul3A_2, %dma_wait3A_19] : memref<10112x128xf32, #tpu.memory_space<hbm>> -> memref<632x128xf32, #tpu.memory_space<hbm>>
      tpu.wait_dma2 semaphore(%run_scoped3A : memref<!tpu.dma_semaphore, #tpu.memory_space<semaphore_mem>>) src(%dma_wait3A_20 : memref<632x128xf32, #tpu.memory_space<hbm>>) dst(%dma_wait3A_18 : memref<632x128xf32, #tpu.memory_space<vmem_shared>>)
      tpu.yield
    }) : () -> ()
    %barrier3A = arith.constant 0 : index
    tpu.barrier barrier_id(%barrier3A)
    %scan3A = arith.constant 0 : i32
    %scan3A_5 = arith.constant 0 : i32
    %scan3A_6 = arith.constant 10 : i32
    %scan3A_7 = arith.addi %scan3A_5, %scan3A_6 : i32
    %scan3A_8 = arith.constant 1 : i32
    scf.for %scan3A_15 = %scan3A_5 to %scan3A_7 step %scan3A_8  : i32 {
      %mul3A_16 = arith.constant 16 : i32
      %mul3A_17 = arith.muli %scan3A_15, %mul3A_16 : i32
      "tpu.region"() ({
        %run_scoped3A = tpu.sem_alloc : memref<!tpu.dma_semaphore, #tpu.memory_space<semaphore_mem>>
        %dma_start3A_39 = arith.constant 0 : i32
        %dma_start3A_40 = arith.constant 0 : i32
        %dma_start3A_41 = tpu.memref_slice %arg3[%add3A, %dma_start3A_39, %dma_start3A_40] : memref<32x160x64xi32, #tpu.memory_space<hbm>> -> memref<1x160x64xi32, #tpu.memory_space<hbm>>
        %dma_start3A_42 = tpu.memref_squeeze %dma_start3A_41 : memref<1x160x64xi32, #tpu.memory_space<hbm>> -> memref<160x64xi32, #tpu.memory_space<hbm>>
        %dma_start3A_43 = arith.constant 0 : i32
        %dma_start3A_44 = tpu.memref_slice %dma_start3A_42[%mul3A_17, %dma_start3A_43] : memref<160x64xi32, #tpu.memory_space<hbm>> -> memref<16x64xi32, #tpu.memory_space<hbm>>
        %dma_start3A_45 = arith.constant 0 : i32
        %dma_start3A_46 = arith.constant 0 : i32
        %dma_start3A_47 = tpu.memref_slice %arg3[%add3A, %dma_start3A_45, %dma_start3A_46] : memref<32x160x64xi32, #tpu.memory_space<hbm>> -> memref<1x160x64xi32, #tpu.memory_space<hbm>>
        %dma_start3A_48 = tpu.memref_squeeze %dma_start3A_47 : memref<1x160x64xi32, #tpu.memory_space<hbm>> -> memref<160x64xi32, #tpu.memory_space<hbm>>
        %dma_start3A_49 = arith.constant 0 : i32
        %dma_start3A_50 = tpu.memref_slice %dma_start3A_48[%mul3A_17, %dma_start3A_49] : memref<160x64xi32, #tpu.memory_space<hbm>> -> memref<16x64xi32, #tpu.memory_space<hbm>>
        tpu.enqueue_dma source(%dma_start3A_50 : memref<16x64xi32, #tpu.memory_space<hbm>>) target(%arg7 : memref<16x64xi32, #tpu.memory_space<vmem>>) target_semaphore(%run_scoped3A : memref<!tpu.dma_semaphore, #tpu.memory_space<semaphore_mem>>)
        %dma_wait3A = arith.constant 0 : i32
        %dma_wait3A_51 = arith.constant 0 : i32
        %dma_wait3A_52 = tpu.memref_slice %arg3[%add3A, %dma_wait3A, %dma_wait3A_51] : memref<32x160x64xi32, #tpu.memory_space<hbm>> -> memref<1x160x64xi32, #tpu.memory_space<hbm>>
        %dma_wait3A_53 = tpu.memref_squeeze %dma_wait3A_52 : memref<1x160x64xi32, #tpu.memory_space<hbm>> -> memref<160x64xi32, #tpu.memory_space<hbm>>
        %dma_wait3A_54 = arith.constant 0 : i32
        %dma_wait3A_55 = tpu.memref_slice %dma_wait3A_53[%mul3A_17, %dma_wait3A_54] : memref<160x64xi32, #tpu.memory_space<hbm>> -> memref<16x64xi32, #tpu.memory_space<hbm>>
        %dma_wait3A_56 = arith.constant 0 : i32
        %dma_wait3A_57 = arith.constant 0 : i32
        %dma_wait3A_58 = tpu.memref_slice %arg3[%add3A, %dma_wait3A_56, %dma_wait3A_57] : memref<32x160x64xi32, #tpu.memory_space<hbm>> -> memref<1x160x64xi32, #tpu.memory_space<hbm>>
        %dma_wait3A_59 = tpu.memref_squeeze %dma_wait3A_58 : memref<1x160x64xi32, #tpu.memory_space<hbm>> -> memref<160x64xi32, #tpu.memory_space<hbm>>
        %dma_wait3A_60 = arith.constant 0 : i32
        %dma_wait3A_61 = tpu.memref_slice %dma_wait3A_59[%mul3A_17, %dma_wait3A_60] : memref<160x64xi32, #tpu.memory_space<hbm>> -> memref<16x64xi32, #tpu.memory_space<hbm>>
        tpu.wait_dma2 semaphore(%run_scoped3A : memref<!tpu.dma_semaphore, #tpu.memory_space<semaphore_mem>>) src(%dma_wait3A_61 : memref<16x64xi32, #tpu.memory_space<hbm>>) dst(%arg7 : memref<16x64xi32, #tpu.memory_space<vmem>>)
        tpu.yield
      }) : () -> ()
      %mul3A_18 = arith.constant 16 : i32
      %mul3A_19 = arith.muli %scan3A_15, %mul3A_18 : i32
      "tpu.region"() ({
        %run_scoped3A = tpu.sem_alloc : memref<!tpu.dma_semaphore, #tpu.memory_space<semaphore_mem>>
        %dma_start3A_39 = arith.constant 0 : i32
        %dma_start3A_40 = arith.constant 0 : i32
        %dma_start3A_41 = tpu.memref_slice %arg4[%add3A, %dma_start3A_39, %dma_start3A_40] : memref<32x160x64xi32, #tpu.memory_space<hbm>> -> memref<1x160x64xi32, #tpu.memory_space<hbm>>
        %dma_start3A_42 = tpu.memref_squeeze %dma_start3A_41 : memref<1x160x64xi32, #tpu.memory_space<hbm>> -> memref<160x64xi32, #tpu.memory_space<hbm>>
        %dma_start3A_43 = arith.constant 0 : i32
        %dma_start3A_44 = tpu.memref_slice %dma_start3A_42[%mul3A_19, %dma_start3A_43] : memref<160x64xi32, #tpu.memory_space<hbm>> -> memref<16x64xi32, #tpu.memory_space<hbm>>
        %dma_start3A_45 = arith.constant 0 : i32
        %dma_start3A_46 = arith.constant 0 : i32
        %dma_start3A_47 = tpu.memref_slice %arg4[%add3A, %dma_start3A_45, %dma_start3A_46] : memref<32x160x64xi32, #tpu.memory_space<hbm>> -> memref<1x160x64xi32, #tpu.memory_space<hbm>>
        %dma_start3A_48 = tpu.memref_squeeze %dma_start3A_47 : memref<1x160x64xi32, #tpu.memory_space<hbm>> -> memref<160x64xi32, #tpu.memory_space<hbm>>
        %dma_start3A_49 = arith.constant 0 : i32
        %dma_start3A_50 = tpu.memref_slice %dma_start3A_48[%mul3A_19, %dma_start3A_49] : memref<160x64xi32, #tpu.memory_space<hbm>> -> memref<16x64xi32, #tpu.memory_space<hbm>>
        tpu.enqueue_dma source(%dma_start3A_50 : memref<16x64xi32, #tpu.memory_space<hbm>>) target(%arg8 : memref<16x64xi32, #tpu.memory_space<vmem>>) target_semaphore(%run_scoped3A : memref<!tpu.dma_semaphore, #tpu.memory_space<semaphore_mem>>)
        %dma_wait3A = arith.constant 0 : i32
        %dma_wait3A_51 = arith.constant 0 : i32
        %dma_wait3A_52 = tpu.memref_slice %arg4[%add3A, %dma_wait3A, %dma_wait3A_51] : memref<32x160x64xi32, #tpu.memory_space<hbm>> -> memref<1x160x64xi32, #tpu.memory_space<hbm>>
        %dma_wait3A_53 = tpu.memref_squeeze %dma_wait3A_52 : memref<1x160x64xi32, #tpu.memory_space<hbm>> -> memref<160x64xi32, #tpu.memory_space<hbm>>
        %dma_wait3A_54 = arith.constant 0 : i32
        %dma_wait3A_55 = tpu.memref_slice %dma_wait3A_53[%mul3A_19, %dma_wait3A_54] : memref<160x64xi32, #tpu.memory_space<hbm>> -> memref<16x64xi32, #tpu.memory_space<hbm>>
        %dma_wait3A_56 = arith.constant 0 : i32
        %dma_wait3A_57 = arith.constant 0 : i32
        %dma_wait3A_58 = tpu.memref_slice %arg4[%add3A, %dma_wait3A_56, %dma_wait3A_57] : memref<32x160x64xi32, #tpu.memory_space<hbm>> -> memref<1x160x64xi32, #tpu.memory_space<hbm>>
        %dma_wait3A_59 = tpu.memref_squeeze %dma_wait3A_58 : memref<1x160x64xi32, #tpu.memory_space<hbm>> -> memref<160x64xi32, #tpu.memory_space<hbm>>
        %dma_wait3A_60 = arith.constant 0 : i32
        %dma_wait3A_61 = tpu.memref_slice %dma_wait3A_59[%mul3A_19, %dma_wait3A_60] : memref<160x64xi32, #tpu.memory_space<hbm>> -> memref<16x64xi32, #tpu.memory_space<hbm>>
        tpu.wait_dma2 semaphore(%run_scoped3A : memref<!tpu.dma_semaphore, #tpu.memory_space<semaphore_mem>>) src(%dma_wait3A_61 : memref<16x64xi32, #tpu.memory_space<hbm>>) dst(%arg8 : memref<16x64xi32, #tpu.memory_space<vmem>>)
        tpu.yield
      }) : () -> ()
      %dma_start3A = arith.constant 0 : i32
      %dma_start3A_20 = arith.constant 0 : i32
      %dma_start3A_21 = tpu.memref_slice %arg7[%dma_start3A, %dma_start3A_20] : memref<16x64xi32, #tpu.memory_space<vmem>> -> memref<1x64xi32, #tpu.memory_space<vmem>>
      %dma_start3A_22 = tpu.memref_squeeze %dma_start3A_21 : memref<1x64xi32, #tpu.memory_space<vmem>> -> memref<64xi32, #tpu.memory_space<vmem>>
      %dma_start3A_23 = arith.constant 0 : i32
      %dma_start3A_24 = arith.constant 0 : i32
      %dma_start3A_25 = tpu.memref_slice %arg2[%dma_start3A_23, %dma_start3A_24] : memref<10000x128xf32, #tpu.memory_space<hbm>> -> memref<10000x128xf32, #tpu.memory_space<hbm>>
      tpu.enqueue_indirect_dma source(%dma_start3A_25 : memref<10000x128xf32, #tpu.memory_space<hbm>>) target(%arg9 : memref<64x128xf32, #tpu.memory_space<vmem>>) offsets(%dma_start3A_22 : memref<64xi32, #tpu.memory_space<vmem>>) semaphore(%arg12 : memref<!tpu.dma_semaphore, #tpu.memory_space<semaphore_mem>>)
      %dma_start3A_26 = arith.constant 1 : i32
      %dma_start3A_27 = arith.constant 0 : i32
      %dma_start3A_28 = tpu.memref_slice %arg7[%dma_start3A_26, %dma_start3A_27] : memref<16x64xi32, #tpu.memory_space<vmem>> -> memref<1x64xi32, #tpu.memory_space<vmem>>
      %dma_start3A_29 = tpu.memref_squeeze %dma_start3A_28 : memref<1x64xi32, #tpu.memory_space<vmem>> -> memref<64xi32, #tpu.memory_space<vmem>>
      %dma_start3A_30 = arith.constant 0 : i32
      %dma_start3A_31 = arith.constant 0 : i32
      %dma_start3A_32 = tpu.memref_slice %arg2[%dma_start3A_30, %dma_start3A_31] : memref<10000x128xf32, #tpu.memory_space<hbm>> -> memref<10000x128xf32, #tpu.memory_space<hbm>>
      tpu.enqueue_indirect_dma source(%dma_start3A_32 : memref<10000x128xf32, #tpu.memory_space<hbm>>) target(%arg10 : memref<64x128xf32, #tpu.memory_space<vmem>>) offsets(%dma_start3A_29 : memref<64xi32, #tpu.memory_space<vmem>>) semaphore(%arg13 : memref<!tpu.dma_semaphore, #tpu.memory_space<semaphore_mem>>)
      %scan3A_33 = arith.constant 0 : i32
      %scan3A_34 = arith.constant 0 : i32
      %scan3A_35 = arith.constant 8 : i32
      %scan3A_36 = arith.addi %scan3A_34, %scan3A_35 : i32
      %scan3A_37 = arith.constant 1 : i32
      scf.for %scan3A_39 = %scan3A_34 to %scan3A_36 step %scan3A_37  : i32 {
        %mul3A_40 = arith.constant 2 : i32
        %mul3A_41 = arith.muli %mul3A_40, %scan3A_39 : i32
        %dma_wait3A = arith.constant 0 : i32
        %dma_wait3A_42 = tpu.memref_slice %arg7[%mul3A_41, %dma_wait3A] : memref<16x64xi32, #tpu.memory_space<vmem>> -> memref<1x64xi32, #tpu.memory_space<vmem>>
        %dma_wait3A_43 = tpu.memref_squeeze %dma_wait3A_42 : memref<1x64xi32, #tpu.memory_space<vmem>> -> memref<64xi32, #tpu.memory_space<vmem>>
        %dma_wait3A_44 = arith.constant 0 : i32
        %dma_wait3A_45 = arith.constant 0 : i32
        %dma_wait3A_46 = tpu.memref_slice %arg2[%dma_wait3A_44, %dma_wait3A_45] : memref<10000x128xf32, #tpu.memory_space<hbm>> -> memref<10000x128xf32, #tpu.memory_space<hbm>>
        tpu.wait_indirect_dma semaphore(%arg12 : memref<!tpu.dma_semaphore, #tpu.memory_space<semaphore_mem>>) src(%dma_wait3A_46 : memref<10000x128xf32, #tpu.memory_space<hbm>>) dst(%arg9 : memref<64x128xf32, #tpu.memory_space<vmem>>)
        "tpu.region"() ({
          %run_scoped3A = tpu.sem_alloc : memref<!tpu.dma_semaphore, #tpu.memory_space<semaphore_mem>>
          %dma_start3A_68 = arith.constant 0 : i32
          %dma_start3A_69 = tpu.memref_slice %arg8[%mul3A_41, %dma_start3A_68] : memref<16x64xi32, #tpu.memory_space<vmem>> -> memref<1x64xi32, #tpu.memory_space<vmem>>
          %dma_start3A_70 = tpu.memref_squeeze %dma_start3A_69 : memref<1x64xi32, #tpu.memory_space<vmem>> -> memref<64xi32, #tpu.memory_space<vmem>>
          %dma_start3A_71 = arith.constant 0 : i32
          %dma_start3A_72 = arith.constant 0 : i32
          %dma_start3A_73 = tpu.memref_slice %arg11[%dma_start3A_71, %dma_start3A_72] : memref<10112x128xf32, #tpu.memory_space<vmem_shared>> -> memref<10112x128xf32, #tpu.memory_space<vmem_shared>>
          tpu.enqueue_indirect_dma source(%arg9 : memref<64x128xf32, #tpu.memory_space<vmem>>) target(%dma_start3A_73 : memref<10112x128xf32, #tpu.memory_space<vmem_shared>>) offsets(%dma_start3A_70 : memref<64xi32, #tpu.memory_space<vmem>>) semaphore(%run_scoped3A : memref<!tpu.dma_semaphore, #tpu.memory_space<semaphore_mem>>) {add = true}
          %dma_wait3A_74 = arith.constant 0 : i32
          %dma_wait3A_75 = tpu.memref_slice %arg8[%mul3A_41, %dma_wait3A_74] : memref<16x64xi32, #tpu.memory_space<vmem>> -> memref<1x64xi32, #tpu.memory_space<vmem>>
          %dma_wait3A_76 = tpu.memref_squeeze %dma_wait3A_75 : memref<1x64xi32, #tpu.memory_space<vmem>> -> memref<64xi32, #tpu.memory_space<vmem>>
          %dma_wait3A_77 = arith.constant 0 : i32
          %dma_wait3A_78 = arith.constant 0 : i32
          %dma_wait3A_79 = tpu.memref_slice %arg11[%dma_wait3A_77, %dma_wait3A_78] : memref<10112x128xf32, #tpu.memory_space<vmem_shared>> -> memref<10112x128xf32, #tpu.memory_space<vmem_shared>>
          tpu.wait_indirect_dma semaphore(%run_scoped3A : memref<!tpu.dma_semaphore, #tpu.memory_space<semaphore_mem>>) src(%arg9 : memref<64x128xf32, #tpu.memory_space<vmem>>) dst(%dma_wait3A_79 : memref<10112x128xf32, #tpu.memory_space<vmem_shared>>)
          tpu.yield
        }) : () -> ()
        %add3A_47 = arith.constant 2 : i32
        %add3A_48 = arith.addi %mul3A_41, %add3A_47 : i32
        %lt3A = arith.constant 16 : i32
        %lt3A_49 = arith.cmpi slt, %add3A_48, %lt3A : i32
        %convert_element_type3A = arith.extui %lt3A_49 : i1 to i32
        %cond3A = arith.constant 0 : i32
        %cond3A_50 = arith.cmpi ne, %convert_element_type3A, %cond3A : i32
        scf.if %cond3A_50 {
          %add3A_68 = arith.constant 2 : i32
          %add3A_69 = arith.addi %mul3A_41, %add3A_68 : i32
          %dma_start3A_70 = arith.constant 0 : i32
          %dma_start3A_71 = tpu.memref_slice %arg7[%add3A_69, %dma_start3A_70] : memref<16x64xi32, #tpu.memory_space<vmem>> -> memref<1x64xi32, #tpu.memory_space<vmem>>
          %dma_start3A_72 = tpu.memref_squeeze %dma_start3A_71 : memref<1x64xi32, #tpu.memory_space<vmem>> -> memref<64xi32, #tpu.memory_space<vmem>>
          %dma_start3A_73 = arith.constant 0 : i32
          %dma_start3A_74 = arith.constant 0 : i32
          %dma_start3A_75 = tpu.memref_slice %arg2[%dma_start3A_73, %dma_start3A_74] : memref<10000x128xf32, #tpu.memory_space<hbm>> -> memref<10000x128xf32, #tpu.memory_space<hbm>>
          tpu.enqueue_indirect_dma source(%dma_start3A_75 : memref<10000x128xf32, #tpu.memory_space<hbm>>) target(%arg9 : memref<64x128xf32, #tpu.memory_space<vmem>>) offsets(%dma_start3A_72 : memref<64xi32, #tpu.memory_space<vmem>>) semaphore(%arg12 : memref<!tpu.dma_semaphore, #tpu.memory_space<semaphore_mem>>)
        } else {
        }
        %mul3A_51 = arith.constant 2 : i32
        %mul3A_52 = arith.muli %mul3A_51, %scan3A_39 : i32
        %add3A_53 = arith.constant 1 : i32
        %add3A_54 = arith.addi %mul3A_52, %add3A_53 : i32
        %dma_wait3A_55 = arith.constant 0 : i32
        %dma_wait3A_56 = tpu.memref_slice %arg7[%add3A_54, %dma_wait3A_55] : memref<16x64xi32, #tpu.memory_space<vmem>> -> memref<1x64xi32, #tpu.memory_space<vmem>>
        %dma_wait3A_57 = tpu.memref_squeeze %dma_wait3A_56 : memref<1x64xi32, #tpu.memory_space<vmem>> -> memref<64xi32, #tpu.memory_space<vmem>>
        %dma_wait3A_58 = arith.constant 0 : i32
        %dma_wait3A_59 = arith.constant 0 : i32
        %dma_wait3A_60 = tpu.memref_slice %arg2[%dma_wait3A_58, %dma_wait3A_59] : memref<10000x128xf32, #tpu.memory_space<hbm>> -> memref<10000x128xf32, #tpu.memory_space<hbm>>
        tpu.wait_indirect_dma semaphore(%arg13 : memref<!tpu.dma_semaphore, #tpu.memory_space<semaphore_mem>>) src(%dma_wait3A_60 : memref<10000x128xf32, #tpu.memory_space<hbm>>) dst(%arg10 : memref<64x128xf32, #tpu.memory_space<vmem>>)
        "tpu.region"() ({
          %run_scoped3A = tpu.sem_alloc : memref<!tpu.dma_semaphore, #tpu.memory_space<semaphore_mem>>
          %dma_start3A_68 = arith.constant 0 : i32
          %dma_start3A_69 = tpu.memref_slice %arg8[%add3A_54, %dma_start3A_68] : memref<16x64xi32, #tpu.memory_space<vmem>> -> memref<1x64xi32, #tpu.memory_space<vmem>>
          %dma_start3A_70 = tpu.memref_squeeze %dma_start3A_69 : memref<1x64xi32, #tpu.memory_space<vmem>> -> memref<64xi32, #tpu.memory_space<vmem>>
          %dma_start3A_71 = arith.constant 0 : i32
          %dma_start3A_72 = arith.constant 0 : i32
          %dma_start3A_73 = tpu.memref_slice %arg11[%dma_start3A_71, %dma_start3A_72] : memref<10112x128xf32, #tpu.memory_space<vmem_shared>> -> memref<10112x128xf32, #tpu.memory_space<vmem_shared>>
          tpu.enqueue_indirect_dma source(%arg10 : memref<64x128xf32, #tpu.memory_space<vmem>>) target(%dma_start3A_73 : memref<10112x128xf32, #tpu.memory_space<vmem_shared>>) offsets(%dma_start3A_70 : memref<64xi32, #tpu.memory_space<vmem>>) semaphore(%run_scoped3A : memref<!tpu.dma_semaphore, #tpu.memory_space<semaphore_mem>>) {add = true}
          %dma_wait3A_74 = arith.constant 0 : i32
          %dma_wait3A_75 = tpu.memref_slice %arg8[%add3A_54, %dma_wait3A_74] : memref<16x64xi32, #tpu.memory_space<vmem>> -> memref<1x64xi32, #tpu.memory_space<vmem>>
          %dma_wait3A_76 = tpu.memref_squeeze %dma_wait3A_75 : memref<1x64xi32, #tpu.memory_space<vmem>> -> memref<64xi32, #tpu.memory_space<vmem>>
          %dma_wait3A_77 = arith.constant 0 : i32
          %dma_wait3A_78 = arith.constant 0 : i32
          %dma_wait3A_79 = tpu.memref_slice %arg11[%dma_wait3A_77, %dma_wait3A_78] : memref<10112x128xf32, #tpu.memory_space<vmem_shared>> -> memref<10112x128xf32, #tpu.memory_space<vmem_shared>>
          tpu.wait_indirect_dma semaphore(%run_scoped3A : memref<!tpu.dma_semaphore, #tpu.memory_space<semaphore_mem>>) src(%arg10 : memref<64x128xf32, #tpu.memory_space<vmem>>) dst(%dma_wait3A_79 : memref<10112x128xf32, #tpu.memory_space<vmem_shared>>)
          tpu.yield
        }) : () -> ()
        %add3A_61 = arith.constant 2 : i32
        %add3A_62 = arith.addi %add3A_54, %add3A_61 : i32
        %lt3A_63 = arith.constant 16 : i32
        %lt3A_64 = arith.cmpi slt, %add3A_62, %lt3A_63 : i32
        %convert_element_type3A_65 = arith.extui %lt3A_64 : i1 to i32
        %cond3A_66 = arith.constant 0 : i32
        %cond3A_67 = arith.cmpi ne, %convert_element_type3A_65, %cond3A_66 : i32
        scf.if %cond3A_67 {
          %add3A_68 = arith.constant 2 : i32
          %add3A_69 = arith.addi %add3A_54, %add3A_68 : i32
          %dma_start3A_70 = arith.constant 0 : i32
          %dma_start3A_71 = tpu.memref_slice %arg7[%add3A_69, %dma_start3A_70] : memref<16x64xi32, #tpu.memory_space<vmem>> -> memref<1x64xi32, #tpu.memory_space<vmem>>
          %dma_start3A_72 = tpu.memref_squeeze %dma_start3A_71 : memref<1x64xi32, #tpu.memory_space<vmem>> -> memref<64xi32, #tpu.memory_space<vmem>>
          %dma_start3A_73 = arith.constant 0 : i32
          %dma_start3A_74 = arith.constant 0 : i32
          %dma_start3A_75 = tpu.memref_slice %arg2[%dma_start3A_73, %dma_start3A_74] : memref<10000x128xf32, #tpu.memory_space<hbm>> -> memref<10000x128xf32, #tpu.memory_space<hbm>>
          tpu.enqueue_indirect_dma source(%dma_start3A_75 : memref<10000x128xf32, #tpu.memory_space<hbm>>) target(%arg10 : memref<64x128xf32, #tpu.memory_space<vmem>>) offsets(%dma_start3A_72 : memref<64xi32, #tpu.memory_space<vmem>>) semaphore(%arg13 : memref<!tpu.dma_semaphore, #tpu.memory_space<semaphore_mem>>)
        } else {
        }
      }
      %scan3A_38 = arith.constant 8 : i32
    }
    %scan3A_9 = arith.constant 10 : i32
    %barrier3A_10 = arith.constant 0 : index
    tpu.barrier barrier_id(%barrier3A_10)
    %mul3A_11 = arith.constant 632 : i32
    %mul3A_12 = arith.muli %arg1, %mul3A_11 : i32
    %mul3A_13 = arith.constant 632 : i32
    %mul3A_14 = arith.muli %arg1, %mul3A_13 : i32
    "tpu.region"() ({
      %run_scoped3A = tpu.sem_alloc : memref<!tpu.dma_semaphore, #tpu.memory_space<semaphore_mem>>
      %dma_start3A = arith.constant 0 : i32
      %dma_start3A_15 = arith.constant 0 : i32
      %dma_start3A_16 = tpu.memref_slice %arg6[%arg0, %dma_start3A, %dma_start3A_15] : memref<2x10112x128xf32, #tpu.memory_space<hbm>> -> memref<1x10112x128xf32, #tpu.memory_space<hbm>>
      %dma_start3A_17 = tpu.memref_squeeze %dma_start3A_16 : memref<1x10112x128xf32, #tpu.memory_space<hbm>> -> memref<10112x128xf32, #tpu.memory_space<hbm>>
      %dma_start3A_18 = arith.constant 0 : i32
      %dma_start3A_19 = tpu.memref_slice %dma_start3A_17[%mul3A_14, %dma_start3A_18] : memref<10112x128xf32, #tpu.memory_space<hbm>> -> memref<632x128xf32, #tpu.memory_space<hbm>>
      %dma_start3A_20 = arith.constant 0 : i32
      %dma_start3A_21 = tpu.memref_slice %arg11[%mul3A_12, %dma_start3A_20] : memref<10112x128xf32, #tpu.memory_space<vmem_shared>> -> memref<632x128xf32, #tpu.memory_space<vmem_shared>>
      tpu.enqueue_dma source(%dma_start3A_21 : memref<632x128xf32, #tpu.memory_space<vmem_shared>>) target(%dma_start3A_19 : memref<632x128xf32, #tpu.memory_space<hbm>>) target_semaphore(%run_scoped3A : memref<!tpu.dma_semaphore, #tpu.memory_space<semaphore_mem>>)
      %dma_wait3A = arith.constant 0 : i32
      %dma_wait3A_22 = arith.constant 0 : i32
      %dma_wait3A_23 = tpu.memref_slice %arg6[%arg0, %dma_wait3A, %dma_wait3A_22] : memref<2x10112x128xf32, #tpu.memory_space<hbm>> -> memref<1x10112x128xf32, #tpu.memory_space<hbm>>
      %dma_wait3A_24 = tpu.memref_squeeze %dma_wait3A_23 : memref<1x10112x128xf32, #tpu.memory_space<hbm>> -> memref<10112x128xf32, #tpu.memory_space<hbm>>
      %dma_wait3A_25 = arith.constant 0 : i32
      %dma_wait3A_26 = tpu.memref_slice %dma_wait3A_24[%mul3A_14, %dma_wait3A_25] : memref<10112x128xf32, #tpu.memory_space<hbm>> -> memref<632x128xf32, #tpu.memory_space<hbm>>
      %dma_wait3A_27 = arith.constant 0 : i32
      %dma_wait3A_28 = tpu.memref_slice %arg11[%mul3A_12, %dma_wait3A_27] : memref<10112x128xf32, #tpu.memory_space<vmem_shared>> -> memref<632x128xf32, #tpu.memory_space<vmem_shared>>
      tpu.wait_dma2 semaphore(%run_scoped3A : memref<!tpu.dma_semaphore, #tpu.memory_space<semaphore_mem>>) src(%dma_wait3A_28 : memref<632x128xf32, #tpu.memory_space<vmem_shared>>) dst(%dma_wait3A_26 : memref<632x128xf32, #tpu.memory_space<hbm>>)
      tpu.yield
    }) : () -> ()
    return
  }
}

#map = affine_map<(d0, d1) -> (0, 0)>
#map1 = affine_map<(d0, d1) -> (0, 0, 0)>
module attributes {stable_mosaic.version = 14 : i64} {
  func.func @agg(%arg0: i32, %arg1: i32, %arg2: memref<10000x128xf32, #tpu.memory_space<hbm>>, %arg3: memref<32x160x64xi32, #tpu.memory_space<hbm>>, %arg4: memref<32x160x64xi32, #tpu.memory_space<hbm>>, %arg5: memref<10112x128xf32, #tpu.memory_space<hbm>>, %arg6: memref<2x10112x128xf32, #tpu.memory_space<hbm>>, %arg7: memref<16x64xi32, #tpu.memory_space<vmem>>, %arg8: memref<16x64xi32, #tpu.memory_space<vmem>>, %arg9: memref<64x128xf32, #tpu.memory_space<vmem>>, %arg10: memref<64x128xf32, #tpu.memory_space<vmem>>, %arg11: memref<10112x128xf32, #tpu.memory_space<vmem_shared>>, %arg12: memref<!tpu.dma_semaphore, #tpu.memory_space<semaphore_mem>>, %arg13: memref<!tpu.dma_semaphore, #tpu.memory_space<semaphore_mem>>) attributes {dimension_semantics = [#tpu.dimension_semantics<core_parallel>, #tpu.dimension_semantics<subcore_parallel>], iteration_bounds = array<i64: 2, 16>, scalar_prefetch = 0 : i64, scratch_operands = 7 : i64, tpu.core_type = #tpu.core_type<sc_vector_subcore>, window_params = [{transform_indices = #map}, {transform_indices = #map1}, {transform_indices = #map1}, {transform_indices = #map}, {transform_indices = #map1}]} {
    %mul3A = arith.constant 16 : i32
    %mul3A_0 = arith.muli %arg0, %mul3A : i32
    %add3A = arith.addi %mul3A_0, %arg1 : i32
    %mul3A_1 = arith.constant 632 : i32
    %mul3A_2 = arith.muli %arg1, %mul3A_1 : i32
    %mul3A_3 = arith.constant 632 : i32
    %mul3A_4 = arith.muli %arg1, %mul3A_3 : i32
    "tpu.region"() ({
      %run_scoped3A = tpu.sem_alloc : memref<!tpu.dma_semaphore, #tpu.memory_space<semaphore_mem>>
      %dma_start3A = arith.constant 0 : i32
      %dma_start3A_15 = tpu.memref_slice %arg11[%mul3A_4, %dma_start3A] : memref<10112x128xf32, #tpu.memory_space<vmem_shared>> -> memref<632x128xf32, #tpu.memory_space<vmem_shared>>
      %dma_start3A_16 = arith.constant 0 : i32
      %dma_start3A_17 = tpu.memref_slice %arg5[%mul3A_2, %dma_start3A_16] : memref<10112x128xf32, #tpu.memory_space<hbm>> -> memref<632x128xf32, #tpu.memory_space<hbm>>
      tpu.enqueue_dma source(%dma_start3A_17 : memref<632x128xf32, #tpu.memory_space<hbm>>) target(%dma_start3A_15 : memref<632x128xf32, #tpu.memory_space<vmem_shared>>) target_semaphore(%run_scoped3A : memref<!tpu.dma_semaphore, #tpu.memory_space<semaphore_mem>>)
      %dma_wait3A = arith.constant 0 : i32
      %dma_wait3A_18 = tpu.memref_slice %arg11[%mul3A_4, %dma_wait3A] : memref<10112x128xf32, #tpu.memory_space<vmem_shared>> -> memref<632x128xf32, #tpu.memory_space<vmem_shared>>
      %dma_wait3A_19 = arith.constant 0 : i32
      %dma_wait3A_20 = tpu.memref_slice %arg5[%mul3A_2, %dma_wait3A_19] : memref<10112x128xf32, #tpu.memory_space<hbm>> -> memref<632x128xf32, #tpu.memory_space<hbm>>
      tpu.wait_dma2 semaphore(%run_scoped3A : memref<!tpu.dma_semaphore, #tpu.memory_space<semaphore_mem>>) src(%dma_wait3A_20 : memref<632x128xf32, #tpu.memory_space<hbm>>) dst(%dma_wait3A_18 : memref<632x128xf32, #tpu.memory_space<vmem_shared>>)
      tpu.yield
    }) : () -> ()
    %barrier3A = arith.constant 0 : index
    tpu.barrier barrier_id(%barrier3A)
    %scan3A = arith.constant 0 : i32
    %scan3A_5 = arith.constant 0 : i32
    %scan3A_6 = arith.constant 10 : i32
    %scan3A_7 = arith.addi %scan3A_5, %scan3A_6 : i32
    %scan3A_8 = arith.constant 1 : i32
    scf.for %scan3A_15 = %scan3A_5 to %scan3A_7 step %scan3A_8  : i32 {
      %mul3A_16 = arith.constant 16 : i32
      %mul3A_17 = arith.muli %scan3A_15, %mul3A_16 : i32
      "tpu.region"() ({
        %run_scoped3A = tpu.sem_alloc : memref<!tpu.dma_semaphore, #tpu.memory_space<semaphore_mem>>
        %dma_start3A_39 = arith.constant 0 : i32
        %dma_start3A_40 = arith.constant 0 : i32
        %dma_start3A_41 = tpu.memref_slice %arg3[%add3A, %dma_start3A_39, %dma_start3A_40] : memref<32x160x64xi32, #tpu.memory_space<hbm>> -> memref<1x160x64xi32, #tpu.memory_space<hbm>>
        %dma_start3A_42 = tpu.memref_squeeze %dma_start3A_41 : memref<1x160x64xi32, #tpu.memory_space<hbm>> -> memref<160x64xi32, #tpu.memory_space<hbm>>
        %dma_start3A_43 = arith.constant 0 : i32
        %dma_start3A_44 = tpu.memref_slice %dma_start3A_42[%mul3A_17, %dma_start3A_43] : memref<160x64xi32, #tpu.memory_space<hbm>> -> memref<16x64xi32, #tpu.memory_space<hbm>>
        %dma_start3A_45 = arith.constant 0 : i32
        %dma_start3A_46 = arith.constant 0 : i32
        %dma_start3A_47 = tpu.memref_slice %arg3[%add3A, %dma_start3A_45, %dma_start3A_46] : memref<32x160x64xi32, #tpu.memory_space<hbm>> -> memref<1x160x64xi32, #tpu.memory_space<hbm>>
        %dma_start3A_48 = tpu.memref_squeeze %dma_start3A_47 : memref<1x160x64xi32, #tpu.memory_space<hbm>> -> memref<160x64xi32, #tpu.memory_space<hbm>>
        %dma_start3A_49 = arith.constant 0 : i32
        %dma_start3A_50 = tpu.memref_slice %dma_start3A_48[%mul3A_17, %dma_start3A_49] : memref<160x64xi32, #tpu.memory_space<hbm>> -> memref<16x64xi32, #tpu.memory_space<hbm>>
        tpu.enqueue_dma source(%dma_start3A_50 : memref<16x64xi32, #tpu.memory_space<hbm>>) target(%arg7 : memref<16x64xi32, #tpu.memory_space<vmem>>) target_semaphore(%run_scoped3A : memref<!tpu.dma_semaphore, #tpu.memory_space<semaphore_mem>>)
        %dma_wait3A = arith.constant 0 : i32
        %dma_wait3A_51 = arith.constant 0 : i32
        %dma_wait3A_52 = tpu.memref_slice %arg3[%add3A, %dma_wait3A, %dma_wait3A_51] : memref<32x160x64xi32, #tpu.memory_space<hbm>> -> memref<1x160x64xi32, #tpu.memory_space<hbm>>
        %dma_wait3A_53 = tpu.memref_squeeze %dma_wait3A_52 : memref<1x160x64xi32, #tpu.memory_space<hbm>> -> memref<160x64xi32, #tpu.memory_space<hbm>>
        %dma_wait3A_54 = arith.constant 0 : i32
        %dma_wait3A_55 = tpu.memref_slice %dma_wait3A_53[%mul3A_17, %dma_wait3A_54] : memref<160x64xi32, #tpu.memory_space<hbm>> -> memref<16x64xi32, #tpu.memory_space<hbm>>
        %dma_wait3A_56 = arith.constant 0 : i32
        %dma_wait3A_57 = arith.constant 0 : i32
        %dma_wait3A_58 = tpu.memref_slice %arg3[%add3A, %dma_wait3A_56, %dma_wait3A_57] : memref<32x160x64xi32, #tpu.memory_space<hbm>> -> memref<1x160x64xi32, #tpu.memory_space<hbm>>
        %dma_wait3A_59 = tpu.memref_squeeze %dma_wait3A_58 : memref<1x160x64xi32, #tpu.memory_space<hbm>> -> memref<160x64xi32, #tpu.memory_space<hbm>>
        %dma_wait3A_60 = arith.constant 0 : i32
        %dma_wait3A_61 = tpu.memref_slice %dma_wait3A_59[%mul3A_17, %dma_wait3A_60] : memref<160x64xi32, #tpu.memory_space<hbm>> -> memref<16x64xi32, #tpu.memory_space<hbm>>
        tpu.wait_dma2 semaphore(%run_scoped3A : memref<!tpu.dma_semaphore, #tpu.memory_space<semaphore_mem>>) src(%dma_wait3A_61 : memref<16x64xi32, #tpu.memory_space<hbm>>) dst(%arg7 : memref<16x64xi32, #tpu.memory_space<vmem>>)
        tpu.yield
      }) : () -> ()
      %mul3A_18 = arith.constant 16 : i32
      %mul3A_19 = arith.muli %scan3A_15, %mul3A_18 : i32
      "tpu.region"() ({
        %run_scoped3A = tpu.sem_alloc : memref<!tpu.dma_semaphore, #tpu.memory_space<semaphore_mem>>
        %dma_start3A_39 = arith.constant 0 : i32
        %dma_start3A_40 = arith.constant 0 : i32
        %dma_start3A_41 = tpu.memref_slice %arg4[%add3A, %dma_start3A_39, %dma_start3A_40] : memref<32x160x64xi32, #tpu.memory_space<hbm>> -> memref<1x160x64xi32, #tpu.memory_space<hbm>>
        %dma_start3A_42 = tpu.memref_squeeze %dma_start3A_41 : memref<1x160x64xi32, #tpu.memory_space<hbm>> -> memref<160x64xi32, #tpu.memory_space<hbm>>
        %dma_start3A_43 = arith.constant 0 : i32
        %dma_start3A_44 = tpu.memref_slice %dma_start3A_42[%mul3A_19, %dma_start3A_43] : memref<160x64xi32, #tpu.memory_space<hbm>> -> memref<16x64xi32, #tpu.memory_space<hbm>>
        %dma_start3A_45 = arith.constant 0 : i32
        %dma_start3A_46 = arith.constant 0 : i32
        %dma_start3A_47 = tpu.memref_slice %arg4[%add3A, %dma_start3A_45, %dma_start3A_46] : memref<32x160x64xi32, #tpu.memory_space<hbm>> -> memref<1x160x64xi32, #tpu.memory_space<hbm>>
        %dma_start3A_48 = tpu.memref_squeeze %dma_start3A_47 : memref<1x160x64xi32, #tpu.memory_space<hbm>> -> memref<160x64xi32, #tpu.memory_space<hbm>>
        %dma_start3A_49 = arith.constant 0 : i32
        %dma_start3A_50 = tpu.memref_slice %dma_start3A_48[%mul3A_19, %dma_start3A_49] : memref<160x64xi32, #tpu.memory_space<hbm>> -> memref<16x64xi32, #tpu.memory_space<hbm>>
        tpu.enqueue_dma source(%dma_start3A_50 : memref<16x64xi32, #tpu.memory_space<hbm>>) target(%arg8 : memref<16x64xi32, #tpu.memory_space<vmem>>) target_semaphore(%run_scoped3A : memref<!tpu.dma_semaphore, #tpu.memory_space<semaphore_mem>>)
        %dma_wait3A = arith.constant 0 : i32
        %dma_wait3A_51 = arith.constant 0 : i32
        %dma_wait3A_52 = tpu.memref_slice %arg4[%add3A, %dma_wait3A, %dma_wait3A_51] : memref<32x160x64xi32, #tpu.memory_space<hbm>> -> memref<1x160x64xi32, #tpu.memory_space<hbm>>
        %dma_wait3A_53 = tpu.memref_squeeze %dma_wait3A_52 : memref<1x160x64xi32, #tpu.memory_space<hbm>> -> memref<160x64xi32, #tpu.memory_space<hbm>>
        %dma_wait3A_54 = arith.constant 0 : i32
        %dma_wait3A_55 = tpu.memref_slice %dma_wait3A_53[%mul3A_19, %dma_wait3A_54] : memref<160x64xi32, #tpu.memory_space<hbm>> -> memref<16x64xi32, #tpu.memory_space<hbm>>
        %dma_wait3A_56 = arith.constant 0 : i32
        %dma_wait3A_57 = arith.constant 0 : i32
        %dma_wait3A_58 = tpu.memref_slice %arg4[%add3A, %dma_wait3A_56, %dma_wait3A_57] : memref<32x160x64xi32, #tpu.memory_space<hbm>> -> memref<1x160x64xi32, #tpu.memory_space<hbm>>
        %dma_wait3A_59 = tpu.memref_squeeze %dma_wait3A_58 : memref<1x160x64xi32, #tpu.memory_space<hbm>> -> memref<160x64xi32, #tpu.memory_space<hbm>>
        %dma_wait3A_60 = arith.constant 0 : i32
        %dma_wait3A_61 = tpu.memref_slice %dma_wait3A_59[%mul3A_19, %dma_wait3A_60] : memref<160x64xi32, #tpu.memory_space<hbm>> -> memref<16x64xi32, #tpu.memory_space<hbm>>
        tpu.wait_dma2 semaphore(%run_scoped3A : memref<!tpu.dma_semaphore, #tpu.memory_space<semaphore_mem>>) src(%dma_wait3A_61 : memref<16x64xi32, #tpu.memory_space<hbm>>) dst(%arg8 : memref<16x64xi32, #tpu.memory_space<vmem>>)
        tpu.yield
      }) : () -> ()
      %dma_start3A = arith.constant 0 : i32
      %dma_start3A_20 = arith.constant 0 : i32
      %dma_start3A_21 = tpu.memref_slice %arg7[%dma_start3A, %dma_start3A_20] : memref<16x64xi32, #tpu.memory_space<vmem>> -> memref<1x64xi32, #tpu.memory_space<vmem>>
      %dma_start3A_22 = tpu.memref_squeeze %dma_start3A_21 : memref<1x64xi32, #tpu.memory_space<vmem>> -> memref<64xi32, #tpu.memory_space<vmem>>
      %dma_start3A_23 = arith.constant 0 : i32
      %dma_start3A_24 = arith.constant 0 : i32
      %dma_start3A_25 = tpu.memref_slice %arg2[%dma_start3A_23, %dma_start3A_24] : memref<10000x128xf32, #tpu.memory_space<hbm>> -> memref<10000x128xf32, #tpu.memory_space<hbm>>
      tpu.enqueue_indirect_dma source(%dma_start3A_25 : memref<10000x128xf32, #tpu.memory_space<hbm>>) target(%arg9 : memref<64x128xf32, #tpu.memory_space<vmem>>) offsets(%dma_start3A_22 : memref<64xi32, #tpu.memory_space<vmem>>) semaphore(%arg12 : memref<!tpu.dma_semaphore, #tpu.memory_space<semaphore_mem>>)
      %dma_start3A_26 = arith.constant 1 : i32
      %dma_start3A_27 = arith.constant 0 : i32
      %dma_start3A_28 = tpu.memref_slice %arg7[%dma_start3A_26, %dma_start3A_27] : memref<16x64xi32, #tpu.memory_space<vmem>> -> memref<1x64xi32, #tpu.memory_space<vmem>>
      %dma_start3A_29 = tpu.memref_squeeze %dma_start3A_28 : memref<1x64xi32, #tpu.memory_space<vmem>> -> memref<64xi32, #tpu.memory_space<vmem>>
      %dma_start3A_30 = arith.constant 0 : i32
      %dma_start3A_31 = arith.constant 0 : i32
      %dma_start3A_32 = tpu.memref_slice %arg2[%dma_start3A_30, %dma_start3A_31] : memref<10000x128xf32, #tpu.memory_space<hbm>> -> memref<10000x128xf32, #tpu.memory_space<hbm>>
      tpu.enqueue_indirect_dma source(%dma_start3A_32 : memref<10000x128xf32, #tpu.memory_space<hbm>>) target(%arg10 : memref<64x128xf32, #tpu.memory_space<vmem>>) offsets(%dma_start3A_29 : memref<64xi32, #tpu.memory_space<vmem>>) semaphore(%arg13 : memref<!tpu.dma_semaphore, #tpu.memory_space<semaphore_mem>>)
      %scan3A_33 = arith.constant 0 : i32
      %scan3A_34 = arith.constant 0 : i32
      %scan3A_35 = arith.constant 8 : i32
      %scan3A_36 = arith.addi %scan3A_34, %scan3A_35 : i32
      %scan3A_37 = arith.constant 1 : i32
      scf.for %scan3A_39 = %scan3A_34 to %scan3A_36 step %scan3A_37  : i32 {
        %mul3A_40 = arith.constant 2 : i32
        %mul3A_41 = arith.muli %mul3A_40, %scan3A_39 : i32
        %dma_wait3A = arith.constant 0 : i32
        %dma_wait3A_42 = tpu.memref_slice %arg7[%mul3A_41, %dma_wait3A] : memref<16x64xi32, #tpu.memory_space<vmem>> -> memref<1x64xi32, #tpu.memory_space<vmem>>
        %dma_wait3A_43 = tpu.memref_squeeze %dma_wait3A_42 : memref<1x64xi32, #tpu.memory_space<vmem>> -> memref<64xi32, #tpu.memory_space<vmem>>
        %dma_wait3A_44 = arith.constant 0 : i32
        %dma_wait3A_45 = arith.constant 0 : i32
        %dma_wait3A_46 = tpu.memref_slice %arg2[%dma_wait3A_44, %dma_wait3A_45] : memref<10000x128xf32, #tpu.memory_space<hbm>> -> memref<10000x128xf32, #tpu.memory_space<hbm>>
        tpu.wait_indirect_dma semaphore(%arg12 : memref<!tpu.dma_semaphore, #tpu.memory_space<semaphore_mem>>) src(%dma_wait3A_46 : memref<10000x128xf32, #tpu.memory_space<hbm>>) dst(%arg9 : memref<64x128xf32, #tpu.memory_space<vmem>>)
        "tpu.region"() ({
          %run_scoped3A = tpu.sem_alloc : memref<!tpu.dma_semaphore, #tpu.memory_space<semaphore_mem>>
          %dma_start3A_68 = arith.constant 0 : i32
          %dma_start3A_69 = tpu.memref_slice %arg8[%mul3A_41, %dma_start3A_68] : memref<16x64xi32, #tpu.memory_space<vmem>> -> memref<1x64xi32, #tpu.memory_space<vmem>>
          %dma_start3A_70 = tpu.memref_squeeze %dma_start3A_69 : memref<1x64xi32, #tpu.memory_space<vmem>> -> memref<64xi32, #tpu.memory_space<vmem>>
          %dma_start3A_71 = arith.constant 0 : i32
          %dma_start3A_72 = arith.constant 0 : i32
          %dma_start3A_73 = tpu.memref_slice %arg11[%dma_start3A_71, %dma_start3A_72] : memref<10112x128xf32, #tpu.memory_space<vmem_shared>> -> memref<10112x128xf32, #tpu.memory_space<vmem_shared>>
          tpu.enqueue_indirect_dma source(%arg9 : memref<64x128xf32, #tpu.memory_space<vmem>>) target(%dma_start3A_73 : memref<10112x128xf32, #tpu.memory_space<vmem_shared>>) offsets(%dma_start3A_70 : memref<64xi32, #tpu.memory_space<vmem>>) semaphore(%run_scoped3A : memref<!tpu.dma_semaphore, #tpu.memory_space<semaphore_mem>>) {add = true}
          %dma_wait3A_74 = arith.constant 0 : i32
          %dma_wait3A_75 = tpu.memref_slice %arg8[%mul3A_41, %dma_wait3A_74] : memref<16x64xi32, #tpu.memory_space<vmem>> -> memref<1x64xi32, #tpu.memory_space<vmem>>
          %dma_wait3A_76 = tpu.memref_squeeze %dma_wait3A_75 : memref<1x64xi32, #tpu.memory_space<vmem>> -> memref<64xi32, #tpu.memory_space<vmem>>
          %dma_wait3A_77 = arith.constant 0 : i32
          %dma_wait3A_78 = arith.constant 0 : i32
          %dma_wait3A_79 = tpu.memref_slice %arg11[%dma_wait3A_77, %dma_wait3A_78] : memref<10112x128xf32, #tpu.memory_space<vmem_shared>> -> memref<10112x128xf32, #tpu.memory_space<vmem_shared>>
          tpu.wait_indirect_dma semaphore(%run_scoped3A : memref<!tpu.dma_semaphore, #tpu.memory_space<semaphore_mem>>) src(%arg9 : memref<64x128xf32, #tpu.memory_space<vmem>>) dst(%dma_wait3A_79 : memref<10112x128xf32, #tpu.memory_space<vmem_shared>>)
          tpu.yield
        }) : () -> ()
        %add3A_47 = arith.constant 2 : i32
        %add3A_48 = arith.addi %mul3A_41, %add3A_47 : i32
        %lt3A = arith.constant 16 : i32
        %lt3A_49 = arith.cmpi slt, %add3A_48, %lt3A : i32
        %convert_element_type3A = arith.extui %lt3A_49 : i1 to i32
        %cond3A = arith.constant 0 : i32
        %cond3A_50 = arith.cmpi ne, %convert_element_type3A, %cond3A : i32
        scf.if %cond3A_50 {
          %add3A_68 = arith.constant 2 : i32
          %add3A_69 = arith.addi %mul3A_41, %add3A_68 : i32
          %dma_start3A_70 = arith.constant 0 : i32
          %dma_start3A_71 = tpu.memref_slice %arg7[%add3A_69, %dma_start3A_70] : memref<16x64xi32, #tpu.memory_space<vmem>> -> memref<1x64xi32, #tpu.memory_space<vmem>>
          %dma_start3A_72 = tpu.memref_squeeze %dma_start3A_71 : memref<1x64xi32, #tpu.memory_space<vmem>> -> memref<64xi32, #tpu.memory_space<vmem>>
          %dma_start3A_73 = arith.constant 0 : i32
          %dma_start3A_74 = arith.constant 0 : i32
          %dma_start3A_75 = tpu.memref_slice %arg2[%dma_start3A_73, %dma_start3A_74] : memref<10000x128xf32, #tpu.memory_space<hbm>> -> memref<10000x128xf32, #tpu.memory_space<hbm>>
          tpu.enqueue_indirect_dma source(%dma_start3A_75 : memref<10000x128xf32, #tpu.memory_space<hbm>>) target(%arg9 : memref<64x128xf32, #tpu.memory_space<vmem>>) offsets(%dma_start3A_72 : memref<64xi32, #tpu.memory_space<vmem>>) semaphore(%arg12 : memref<!tpu.dma_semaphore, #tpu.memory_space<semaphore_mem>>)
        } else {
        }
        %mul3A_51 = arith.constant 2 : i32
        %mul3A_52 = arith.muli %mul3A_51, %scan3A_39 : i32
        %add3A_53 = arith.constant 1 : i32
        %add3A_54 = arith.addi %mul3A_52, %add3A_53 : i32
        %dma_wait3A_55 = arith.constant 0 : i32
        %dma_wait3A_56 = tpu.memref_slice %arg7[%add3A_54, %dma_wait3A_55] : memref<16x64xi32, #tpu.memory_space<vmem>> -> memref<1x64xi32, #tpu.memory_space<vmem>>
        %dma_wait3A_57 = tpu.memref_squeeze %dma_wait3A_56 : memref<1x64xi32, #tpu.memory_space<vmem>> -> memref<64xi32, #tpu.memory_space<vmem>>
        %dma_wait3A_58 = arith.constant 0 : i32
        %dma_wait3A_59 = arith.constant 0 : i32
        %dma_wait3A_60 = tpu.memref_slice %arg2[%dma_wait3A_58, %dma_wait3A_59] : memref<10000x128xf32, #tpu.memory_space<hbm>> -> memref<10000x128xf32, #tpu.memory_space<hbm>>
        tpu.wait_indirect_dma semaphore(%arg13 : memref<!tpu.dma_semaphore, #tpu.memory_space<semaphore_mem>>) src(%dma_wait3A_60 : memref<10000x128xf32, #tpu.memory_space<hbm>>) dst(%arg10 : memref<64x128xf32, #tpu.memory_space<vmem>>)
        "tpu.region"() ({
          %run_scoped3A = tpu.sem_alloc : memref<!tpu.dma_semaphore, #tpu.memory_space<semaphore_mem>>
          %dma_start3A_68 = arith.constant 0 : i32
          %dma_start3A_69 = tpu.memref_slice %arg8[%add3A_54, %dma_start3A_68] : memref<16x64xi32, #tpu.memory_space<vmem>> -> memref<1x64xi32, #tpu.memory_space<vmem>>
          %dma_start3A_70 = tpu.memref_squeeze %dma_start3A_69 : memref<1x64xi32, #tpu.memory_space<vmem>> -> memref<64xi32, #tpu.memory_space<vmem>>
          %dma_start3A_71 = arith.constant 0 : i32
          %dma_start3A_72 = arith.constant 0 : i32
          %dma_start3A_73 = tpu.memref_slice %arg11[%dma_start3A_71, %dma_start3A_72] : memref<10112x128xf32, #tpu.memory_space<vmem_shared>> -> memref<10112x128xf32, #tpu.memory_space<vmem_shared>>
          tpu.enqueue_indirect_dma source(%arg10 : memref<64x128xf32, #tpu.memory_space<vmem>>) target(%dma_start3A_73 : memref<10112x128xf32, #tpu.memory_space<vmem_shared>>) offsets(%dma_start3A_70 : memref<64xi32, #tpu.memory_space<vmem>>) semaphore(%run_scoped3A : memref<!tpu.dma_semaphore, #tpu.memory_space<semaphore_mem>>) {add = true}
          %dma_wait3A_74 = arith.constant 0 : i32
          %dma_wait3A_75 = tpu.memref_slice %arg8[%add3A_54, %dma_wait3A_74] : memref<16x64xi32, #tpu.memory_space<vmem>> -> memref<1x64xi32, #tpu.memory_space<vmem>>
          %dma_wait3A_76 = tpu.memref_squeeze %dma_wait3A_75 : memref<1x64xi32, #tpu.memory_space<vmem>> -> memref<64xi32, #tpu.memory_space<vmem>>
          %dma_wait3A_77 = arith.constant 0 : i32
          %dma_wait3A_78 = arith.constant 0 : i32
          %dma_wait3A_79 = tpu.memref_slice %arg11[%dma_wait3A_77, %dma_wait3A_78] : memref<10112x128xf32, #tpu.memory_space<vmem_shared>> -> memref<10112x128xf32, #tpu.memory_space<vmem_shared>>
          tpu.wait_indirect_dma semaphore(%run_scoped3A : memref<!tpu.dma_semaphore, #tpu.memory_space<semaphore_mem>>) src(%arg10 : memref<64x128xf32, #tpu.memory_space<vmem>>) dst(%dma_wait3A_79 : memref<10112x128xf32, #tpu.memory_space<vmem_shared>>)
          tpu.yield
        }) : () -> ()
        %add3A_61 = arith.constant 2 : i32
        %add3A_62 = arith.addi %add3A_54, %add3A_61 : i32
        %lt3A_63 = arith.constant 16 : i32
        %lt3A_64 = arith.cmpi slt, %add3A_62, %lt3A_63 : i32
        %convert_element_type3A_65 = arith.extui %lt3A_64 : i1 to i32
        %cond3A_66 = arith.constant 0 : i32
        %cond3A_67 = arith.cmpi ne, %convert_element_type3A_65, %cond3A_66 : i32
        scf.if %cond3A_67 {
          %add3A_68 = arith.constant 2 : i32
          %add3A_69 = arith.addi %add3A_54, %add3A_68 : i32
          %dma_start3A_70 = arith.constant 0 : i32
          %dma_start3A_71 = tpu.memref_slice %arg7[%add3A_69, %dma_start3A_70] : memref<16x64xi32, #tpu.memory_space<vmem>> -> memref<1x64xi32, #tpu.memory_space<vmem>>
          %dma_start3A_72 = tpu.memref_squeeze %dma_start3A_71 : memref<1x64xi32, #tpu.memory_space<vmem>> -> memref<64xi32, #tpu.memory_space<vmem>>
          %dma_start3A_73 = arith.constant 0 : i32
          %dma_start3A_74 = arith.constant 0 : i32
          %dma_start3A_75 = tpu.memref_slice %arg2[%dma_start3A_73, %dma_start3A_74] : memref<10000x128xf32, #tpu.memory_space<hbm>> -> memref<10000x128xf32, #tpu.memory_space<hbm>>
          tpu.enqueue_indirect_dma source(%dma_start3A_75 : memref<10000x128xf32, #tpu.memory_space<hbm>>) target(%arg10 : memref<64x128xf32, #tpu.memory_space<vmem>>) offsets(%dma_start3A_72 : memref<64xi32, #tpu.memory_space<vmem>>) semaphore(%arg13 : memref<!tpu.dma_semaphore, #tpu.memory_space<semaphore_mem>>)
        } else {
        }
      }
      %scan3A_38 = arith.constant 8 : i32
    }
    %scan3A_9 = arith.constant 10 : i32
    %barrier3A_10 = arith.constant 0 : index
    tpu.barrier barrier_id(%barrier3A_10)
    %mul3A_11 = arith.constant 632 : i32
    %mul3A_12 = arith.muli %arg1, %mul3A_11 : i32
    %mul3A_13 = arith.constant 632 : i32
    %mul3A_14 = arith.muli %arg1, %mul3A_13 : i32
    "tpu.region"() ({
      %run_scoped3A = tpu.sem_alloc : memref<!tpu.dma_semaphore, #tpu.memory_space<semaphore_mem>>
      %dma_start3A = arith.constant 0 : i32
      %dma_start3A_15 = arith.constant 0 : i32
      %dma_start3A_16 = tpu.memref_slice %arg6[%arg0, %dma_start3A, %dma_start3A_15] : memref<2x10112x128xf32, #tpu.memory_space<hbm>> -> memref<1x10112x128xf32, #tpu.memory_space<hbm>>
      %dma_start3A_17 = tpu.memref_squeeze %dma_start3A_16 : memref<1x10112x128xf32, #tpu.memory_space<hbm>> -> memref<10112x128xf32, #tpu.memory_space<hbm>>
      %dma_start3A_18 = arith.constant 0 : i32
      %dma_start3A_19 = tpu.memref_slice %dma_start3A_17[%mul3A_14, %dma_start3A_18] : memref<10112x128xf32, #tpu.memory_space<hbm>> -> memref<632x128xf32, #tpu.memory_space<hbm>>
      %dma_start3A_20 = arith.constant 0 : i32
      %dma_start3A_21 = tpu.memref_slice %arg11[%mul3A_12, %dma_start3A_20] : memref<10112x128xf32, #tpu.memory_space<vmem_shared>> -> memref<632x128xf32, #tpu.memory_space<vmem_shared>>
      tpu.enqueue_dma source(%dma_start3A_21 : memref<632x128xf32, #tpu.memory_space<vmem_shared>>) target(%dma_start3A_19 : memref<632x128xf32, #tpu.memory_space<hbm>>) target_semaphore(%run_scoped3A : memref<!tpu.dma_semaphore, #tpu.memory_space<semaphore_mem>>)
      %dma_wait3A = arith.constant 0 : i32
      %dma_wait3A_22 = arith.constant 0 : i32
      %dma_wait3A_23 = tpu.memref_slice %arg6[%arg0, %dma_wait3A, %dma_wait3A_22] : memref<2x10112x128xf32, #tpu.memory_space<hbm>> -> memref<1x10112x128xf32, #tpu.memory_space<hbm>>
      %dma_wait3A_24 = tpu.memref_squeeze %dma_wait3A_23 : memref<1x10112x128xf32, #tpu.memory_space<hbm>> -> memref<10112x128xf32, #tpu.memory_space<hbm>>
      %dma_wait3A_25 = arith.constant 0 : i32
      %dma_wait3A_26 = tpu.memref_slice %dma_wait3A_24[%mul3A_14, %dma_wait3A_25] : memref<10112x128xf32, #tpu.memory_space<hbm>> -> memref<632x128xf32, #tpu.memory_space<hbm>>
      %dma_wait3A_27 = arith.constant 0 : i32
      %dma_wait3A_28 = tpu.memref_slice %arg11[%mul3A_12, %dma_wait3A_27] : memref<10112x128xf32, #tpu.memory_space<vmem_shared>> -> memref<632x128xf32, #tpu.memory_space<vmem_shared>>
      tpu.wait_dma2 semaphore(%run_scoped3A : memref<!tpu.dma_semaphore, #tpu.memory_space<semaphore_mem>>) src(%dma_wait3A_28 : memref<632x128xf32, #tpu.memory_space<vmem_shared>>) dst(%dma_wait3A_26 : memref<632x128xf32, #tpu.memory_space<hbm>>)
      tpu.yield
    }) : () -> ()
    return
  }
}

module attributes {stable_mosaic.version = 14 : i64} {
  func.func @_mm1_body(%arg0: i32, %arg1: memref<2x1000x128xf32, #tpu.memory_space<vmem>>, %arg2: memref<1000x128xf32, #tpu.memory_space<vmem>>, %arg3: memref<128x128xf32, #tpu.memory_space<vmem>>, %arg4: memref<1000x128xf32, #tpu.memory_space<vmem>>) attributes {dimension_semantics = [#tpu.dimension_semantics<arbitrary>], iteration_bounds = array<i64: 10>, scalar_prefetch = 0 : i64, scratch_operands = 0 : i64, tpu.core_type = #tpu.core_type<tc>, window_params = [{transform_indices = @transform_0, window_bounds = array<i64: 2, 1000, 128>}, {transform_indices = @transform_1, window_bounds = array<i64: 1000, 128>}, {pipeline_mode = #tpu.pipeline_mode<synchronous>, transform_indices = @transform_2, window_bounds = array<i64: 128, 128>}, {transform_indices = @transform_3, window_bounds = array<i64: 1000, 128>}]} {
    %get3A = arith.constant 0 : index
    %get3A_0 = arith.constant 0 : index
    %get3A_1 = arith.constant 0 : index
    %get3A_2 = vector.load %arg1[%get3A, %get3A_0, %get3A_1] : memref<2x1000x128xf32, #tpu.memory_space<vmem>>, vector<1x1000x1xf32>
    %get3A_3 = vector.shape_cast %get3A_2 : vector<1x1000x1xf32> to vector<1000xf32>
    %get3A_4 = arith.constant 1 : index
    %get3A_5 = arith.constant 0 : index
    %get3A_6 = arith.constant 0 : index
    %get3A_7 = vector.load %arg1[%get3A_4, %get3A_5, %get3A_6] : memref<2x1000x128xf32, #tpu.memory_space<vmem>>, vector<1x1000x1xf32>
    %get3A_8 = vector.shape_cast %get3A_7 : vector<1x1000x1xf32> to vector<1000xf32>
    %add3A = arith.addf %get3A_3, %get3A_8 : vector<1000xf32>
    %add3A_9 = arith.constant 1.000000e+00 : f32
    %add3A_10 = vector.broadcast %add3A_9 : f32 to vector<1000xf32>
    %add3A_11 = arith.addf %add3A, %add3A_10 : vector<1000xf32>
    %max3A = arith.constant 1.000000e+00 : f32
    %max3A_12 = vector.broadcast %max3A : f32 to vector<1000xf32>
    %max3A_13 = arith.maximumf %add3A_11, %max3A_12 : vector<1000xf32>
    %rsqrt3A = math.rsqrt %max3A_13 : vector<1000xf32>
    %get3A_14 = arith.constant 0 : index
    %get3A_15 = arith.constant 0 : index
    %get3A_16 = vector.load %arg2[%get3A_14, %get3A_15] : memref<1000x128xf32, #tpu.memory_space<vmem>>, vector<1000x128xf32>
    %get3A_17 = arith.constant 0 : index
    %get3A_18 = arith.constant 0 : index
    %get3A_19 = vector.load %arg3[%get3A_17, %get3A_18] : memref<128x128xf32, #tpu.memory_space<vmem>>, vector<128x128xf32>
    %dot_general3A = arith.constant dense<0.000000e+00> : vector<1000x128xf32>
    %dot_general3A_20 = tpu.matmul %get3A_16, %get3A_19, %dot_general3A {dimension_numbers = #tpu.dot_dimension_numbers<[1], [0], [0], [1], [0, 0, 1, 1], [], []>, transpose_lhs_hint = false} : vector<1000x128xf32>, vector<128x128xf32>, vector<1000x128xf32> -> vector<1000x128xf32>
    %broadcast_in_dim3A = vector.shape_cast %rsqrt3A : vector<1000xf32> to vector<1000x1xf32>
    %mul3A = vector.broadcast %broadcast_in_dim3A : vector<1000x1xf32> to vector<1000x128xf32>
    %mul3A_21 = arith.mulf %dot_general3A_20, %mul3A : vector<1000x128xf32>
    %swap3A = arith.constant 0 : index
    %swap3A_22 = arith.constant 0 : index
    %swap3A_23 = vector.load %arg4[%swap3A, %swap3A_22] : memref<1000x128xf32, #tpu.memory_space<vmem>>, vector<1000x128xf32>
    tpu.vector_store %arg4[%swap3A, %swap3A_22], %mul3A_21 {strides = array<i32>} : memref<1000x128xf32, #tpu.memory_space<vmem>>, vector<1000x128xf32>,
    return
  }
  func.func @transform_0(%arg0: i32) -> (i32, i32, i32) {
    %c0_i32 = arith.constant 0 : i32
    %c0_i32_0 = arith.constant 0 : i32
    %c0_i32_1 = arith.constant 0 : i32
    return %c0_i32, %arg0, %c0_i32_0 : i32, i32, i32
  }
  func.func @transform_1(%arg0: i32) -> (i32, i32) {
    %c0_i32 = arith.constant 0 : i32
    %c0_i32_0 = arith.constant 0 : i32
    return %arg0, %c0_i32 : i32, i32
  }
  func.func @transform_2(%arg0: i32) -> (i32, i32) {
    %c0_i32 = arith.constant 0 : i32
    %c0_i32_0 = arith.constant 0 : i32
    %c0_i32_1 = arith.constant 0 : i32
    return %c0_i32, %c0_i32_0 : i32, i32
  }
  func.func @transform_3(%arg0: i32) -> (i32, i32) {
    %c0_i32 = arith.constant 0 : i32
    %c0_i32_0 = arith.constant 0 : i32
    return %arg0, %c0_i32 : i32, i32
  }
}

module attributes {stable_mosaic.version = 14 : i64} {
  func.func @_mm2_body(%arg0: i32, %arg1: memref<2x1000x128xf32, #tpu.memory_space<vmem>>, %arg2: memref<2x1000x128xf32, #tpu.memory_space<vmem>>, %arg3: memref<1000x128xf32, #tpu.memory_space<vmem>>, %arg4: memref<1x128xf32, #tpu.memory_space<vmem>>, %arg5: memref<128x64xf32, #tpu.memory_space<vmem>>, %arg6: memref<1000x128xf32, #tpu.memory_space<vmem>>) attributes {dimension_semantics = [#tpu.dimension_semantics<arbitrary>], iteration_bounds = array<i64: 10>, scalar_prefetch = 0 : i64, scratch_operands = 0 : i64, tpu.core_type = #tpu.core_type<tc>, window_params = [{transform_indices = @transform_0, window_bounds = array<i64: 2, 1000, 128>}, {transform_indices = @transform_1, window_bounds = array<i64: 2, 1000, 128>}, {transform_indices = @transform_2, window_bounds = array<i64: 1000, 128>}, {pipeline_mode = #tpu.pipeline_mode<synchronous>, transform_indices = @transform_3, window_bounds = array<i64: 1, 128>}, {pipeline_mode = #tpu.pipeline_mode<synchronous>, transform_indices = @transform_4, window_bounds = array<i64: 128, 64>}, {transform_indices = @transform_5, window_bounds = array<i64: 1000, 128>}]} {
    %get3A = arith.constant 0 : index
    %get3A_0 = arith.constant 0 : index
    %get3A_1 = arith.constant 0 : index
    %get3A_2 = vector.load %arg1[%get3A, %get3A_0, %get3A_1] : memref<2x1000x128xf32, #tpu.memory_space<vmem>>, vector<1x1000x1xf32>
    %get3A_3 = vector.shape_cast %get3A_2 : vector<1x1000x1xf32> to vector<1000xf32>
    %get3A_4 = arith.constant 1 : index
    %get3A_5 = arith.constant 0 : index
    %get3A_6 = arith.constant 0 : index
    %get3A_7 = vector.load %arg1[%get3A_4, %get3A_5, %get3A_6] : memref<2x1000x128xf32, #tpu.memory_space<vmem>>, vector<1x1000x1xf32>
    %get3A_8 = vector.shape_cast %get3A_7 : vector<1x1000x1xf32> to vector<1000xf32>
    %add3A = arith.addf %get3A_3, %get3A_8 : vector<1000xf32>
    %add3A_9 = arith.constant 1.000000e+00 : f32
    %add3A_10 = vector.broadcast %add3A_9 : f32 to vector<1000xf32>
    %add3A_11 = arith.addf %add3A, %add3A_10 : vector<1000xf32>
    %max3A = arith.constant 1.000000e+00 : f32
    %max3A_12 = vector.broadcast %max3A : f32 to vector<1000xf32>
    %max3A_13 = arith.maximumf %add3A_11, %max3A_12 : vector<1000xf32>
    %rsqrt3A = math.rsqrt %max3A_13 : vector<1000xf32>
    %get3A_14 = arith.constant 0 : index
    %get3A_15 = arith.constant 0 : index
    %get3A_16 = arith.constant 0 : index
    %get3A_17 = vector.load %arg2[%get3A_14, %get3A_15, %get3A_16] : memref<2x1000x128xf32, #tpu.memory_space<vmem>>, vector<1x1000x128xf32>
    %get3A_18 = vector.shape_cast %get3A_17 : vector<1x1000x128xf32> to vector<1000x128xf32>
    %get3A_19 = arith.constant 1 : index
    %get3A_20 = arith.constant 0 : index
    %get3A_21 = arith.constant 0 : index
    %get3A_22 = vector.load %arg2[%get3A_19, %get3A_20, %get3A_21] : memref<2x1000x128xf32, #tpu.memory_space<vmem>>, vector<1x1000x128xf32>
    %get3A_23 = vector.shape_cast %get3A_22 : vector<1x1000x128xf32> to vector<1000x128xf32>
    %add3A_24 = arith.addf %get3A_18, %get3A_23 : vector<1000x128xf32>
    %get3A_25 = arith.constant 0 : index
    %get3A_26 = arith.constant 0 : index
    %get3A_27 = vector.load %arg3[%get3A_25, %get3A_26] : memref<1000x128xf32, #tpu.memory_space<vmem>>, vector<1000x128xf32>
    %add3A_28 = arith.addf %add3A_24, %get3A_27 : vector<1000x128xf32>
    %broadcast_in_dim3A = vector.shape_cast %rsqrt3A : vector<1000xf32> to vector<1000x1xf32>
    %mul3A = vector.broadcast %broadcast_in_dim3A : vector<1000x1xf32> to vector<1000x128xf32>
    %mul3A_29 = arith.mulf %add3A_28, %mul3A : vector<1000x128xf32>
    %get3A_30 = arith.constant 0 : index
    %get3A_31 = arith.constant 0 : index
    %get3A_32 = vector.load %arg4[%get3A_30, %get3A_31] : memref<1x128xf32, #tpu.memory_space<vmem>>, vector<1x128xf32>
    %add3A_33 = vector.broadcast %get3A_32 : vector<1x128xf32> to vector<1000x128xf32>
    %add3A_34 = arith.addf %mul3A_29, %add3A_33 : vector<1000x128xf32>
    %max3A_35 = arith.constant 0.000000e+00 : f32
    %max3A_36 = vector.broadcast %max3A_35 : f32 to vector<1000x128xf32>
    %max3A_37 = arith.maximumf %add3A_34, %max3A_36 : vector<1000x128xf32>
    %get3A_38 = arith.constant 0 : index
    %get3A_39 = arith.constant 0 : index
    %get3A_40 = vector.load %arg5[%get3A_38, %get3A_39] : memref<128x64xf32, #tpu.memory_space<vmem>>, vector<128x64xf32>
    %dot_general3A = arith.constant dense<0.000000e+00> : vector<1000x64xf32>
    %dot_general3A_41 = tpu.matmul %max3A_37, %get3A_40, %dot_general3A {dimension_numbers = #tpu.dot_dimension_numbers<[1], [0], [0], [1], [0, 0, 1, 1], [], []>, transpose_lhs_hint = false} : vector<1000x128xf32>, vector<128x64xf32>, vector<1000x64xf32> -> vector<1000x64xf32>
    %broadcast_in_dim3A_42 = vector.shape_cast %rsqrt3A : vector<1000xf32> to vector<1000x1xf32>
    %mul3A_43 = vector.broadcast %broadcast_in_dim3A_42 : vector<1000x1xf32> to vector<1000x64xf32>
    %mul3A_44 = arith.mulf %dot_general3A_41, %mul3A_43 : vector<1000x64xf32>
    %broadcast_in_dim3A_45 = arith.constant 0.000000e+00 : f32
    %broadcast_in_dim3A_46 = vector.broadcast %broadcast_in_dim3A_45 : f32 to vector<1000x64xf32>
    %concatenate3A = tpu.concatenate %mul3A_44, %broadcast_in_dim3A_46 in 1 : vector<1000x64xf32>, vector<1000x64xf32> -> vector<1000x128xf32>
    %swap3A = arith.constant 0 : index
    %swap3A_47 = arith.constant 0 : index
    %swap3A_48 = vector.load %arg6[%swap3A, %swap3A_47] : memref<1000x128xf32, #tpu.memory_space<vmem>>, vector<1000x128xf32>
    tpu.vector_store %arg6[%swap3A, %swap3A_47], %concatenate3A {strides = array<i32>} : memref<1000x128xf32, #tpu.memory_space<vmem>>, vector<1000x128xf32>,
    return
  }
  func.func @transform_0(%arg0: i32) -> (i32, i32, i32) {
    %c0_i32 = arith.constant 0 : i32
    %c0_i32_0 = arith.constant 0 : i32
    %c0_i32_1 = arith.constant 0 : i32
    return %c0_i32, %arg0, %c0_i32_0 : i32, i32, i32
  }
  func.func @transform_1(%arg0: i32) -> (i32, i32, i32) {
    %c0_i32 = arith.constant 0 : i32
    %c0_i32_0 = arith.constant 0 : i32
    %c0_i32_1 = arith.constant 0 : i32
    return %c0_i32, %arg0, %c0_i32_0 : i32, i32, i32
  }
  func.func @transform_2(%arg0: i32) -> (i32, i32) {
    %c0_i32 = arith.constant 0 : i32
    %c0_i32_0 = arith.constant 0 : i32
    return %arg0, %c0_i32 : i32, i32
  }
  func.func @transform_3(%arg0: i32) -> (i32, i32) {
    %c0_i32 = arith.constant 0 : i32
    %c0_i32_0 = arith.constant 0 : i32
    %c0_i32_1 = arith.constant 0 : i32
    return %c0_i32, %c0_i32_0 : i32, i32
  }
  func.func @transform_4(%arg0: i32) -> (i32, i32) {
    %c0_i32 = arith.constant 0 : i32
    %c0_i32_0 = arith.constant 0 : i32
    %c0_i32_1 = arith.constant 0 : i32
    return %c0_i32, %c0_i32_0 : i32, i32
  }
  func.func @transform_5(%arg0: i32) -> (i32, i32) {
    %c0_i32 = arith.constant 0 : i32
    %c0_i32_0 = arith.constant 0 : i32
    return %arg0, %c0_i32 : i32, i32
  }
}

module attributes {stable_mosaic.version = 14 : i64} {
  func.func @_mm3_body(%arg0: i32, %arg1: memref<2x1000x128xf32, #tpu.memory_space<vmem>>, %arg2: memref<2x1000x128xf32, #tpu.memory_space<vmem>>, %arg3: memref<1000x128xf32, #tpu.memory_space<vmem>>, %arg4: memref<1x64xf32, #tpu.memory_space<vmem>>, %arg5: memref<64x8xf32, #tpu.memory_space<vmem>>, %arg6: memref<1x8xf32, #tpu.memory_space<vmem>>, %arg7: memref<1000x8xf32, #tpu.memory_space<vmem>>) attributes {dimension_semantics = [#tpu.dimension_semantics<arbitrary>], iteration_bounds = array<i64: 10>, scalar_prefetch = 0 : i64, scratch_operands = 0 : i64, tpu.core_type = #tpu.core_type<tc>, window_params = [{transform_indices = @transform_0, window_bounds = array<i64: 2, 1000, 128>}, {transform_indices = @transform_1, window_bounds = array<i64: 2, 1000, 128>}, {transform_indices = @transform_2, window_bounds = array<i64: 1000, 128>}, {pipeline_mode = #tpu.pipeline_mode<synchronous>, transform_indices = @transform_3, window_bounds = array<i64: 1, 64>}, {pipeline_mode = #tpu.pipeline_mode<synchronous>, transform_indices = @transform_4, window_bounds = array<i64: 64, 8>}, {pipeline_mode = #tpu.pipeline_mode<synchronous>, transform_indices = @transform_5, window_bounds = array<i64: 1, 8>}, {transform_indices = @transform_6, window_bounds = array<i64: 1000, 8>}]} {
    %get3A = arith.constant 0 : index
    %get3A_0 = arith.constant 0 : index
    %get3A_1 = arith.constant 0 : index
    %get3A_2 = vector.load %arg1[%get3A, %get3A_0, %get3A_1] : memref<2x1000x128xf32, #tpu.memory_space<vmem>>, vector<1x1000x1xf32>
    %get3A_3 = vector.shape_cast %get3A_2 : vector<1x1000x1xf32> to vector<1000xf32>
    %get3A_4 = arith.constant 1 : index
    %get3A_5 = arith.constant 0 : index
    %get3A_6 = arith.constant 0 : index
    %get3A_7 = vector.load %arg1[%get3A_4, %get3A_5, %get3A_6] : memref<2x1000x128xf32, #tpu.memory_space<vmem>>, vector<1x1000x1xf32>
    %get3A_8 = vector.shape_cast %get3A_7 : vector<1x1000x1xf32> to vector<1000xf32>
    %add3A = arith.addf %get3A_3, %get3A_8 : vector<1000xf32>
    %add3A_9 = arith.constant 1.000000e+00 : f32
    %add3A_10 = vector.broadcast %add3A_9 : f32 to vector<1000xf32>
    %add3A_11 = arith.addf %add3A, %add3A_10 : vector<1000xf32>
    %max3A = arith.constant 1.000000e+00 : f32
    %max3A_12 = vector.broadcast %max3A : f32 to vector<1000xf32>
    %max3A_13 = arith.maximumf %add3A_11, %max3A_12 : vector<1000xf32>
    %rsqrt3A = math.rsqrt %max3A_13 : vector<1000xf32>
    %get3A_14 = arith.constant 0 : index
    %get3A_15 = arith.constant 0 : index
    %get3A_16 = arith.constant 0 : index
    %get3A_17 = vector.load %arg2[%get3A_14, %get3A_15, %get3A_16] : memref<2x1000x128xf32, #tpu.memory_space<vmem>>, vector<1x1000x128xf32>
    %get3A_18 = vector.shape_cast %get3A_17 : vector<1x1000x128xf32> to vector<1000x128xf32>
    %get3A_19 = arith.constant 1 : index
    %get3A_20 = arith.constant 0 : index
    %get3A_21 = arith.constant 0 : index
    %get3A_22 = vector.load %arg2[%get3A_19, %get3A_20, %get3A_21] : memref<2x1000x128xf32, #tpu.memory_space<vmem>>, vector<1x1000x128xf32>
    %get3A_23 = vector.shape_cast %get3A_22 : vector<1x1000x128xf32> to vector<1000x128xf32>
    %add3A_24 = arith.addf %get3A_18, %get3A_23 : vector<1000x128xf32>
    %get3A_25 = arith.constant 0 : index
    %get3A_26 = arith.constant 0 : index
    %get3A_27 = vector.load %arg3[%get3A_25, %get3A_26] : memref<1000x128xf32, #tpu.memory_space<vmem>>, vector<1000x128xf32>
    %add3A_28 = arith.addf %add3A_24, %get3A_27 : vector<1000x128xf32>
    %slice3A = vector.extract_strided_slice %add3A_28 {offsets = [0, 0], sizes = [1000, 64], strides = [1, 1]} : vector<1000x128xf32> to vector<1000x64xf32>
    %broadcast_in_dim3A = vector.shape_cast %rsqrt3A : vector<1000xf32> to vector<1000x1xf32>
    %mul3A = vector.broadcast %broadcast_in_dim3A : vector<1000x1xf32> to vector<1000x64xf32>
    %mul3A_29 = arith.mulf %slice3A, %mul3A : vector<1000x64xf32>
    %get3A_30 = arith.constant 0 : index
    %get3A_31 = arith.constant 0 : index
    %get3A_32 = vector.load %arg4[%get3A_30, %get3A_31] : memref<1x64xf32, #tpu.memory_space<vmem>>, vector<1x64xf32>
    %add3A_33 = vector.broadcast %get3A_32 : vector<1x64xf32> to vector<1000x64xf32>
    %add3A_34 = arith.addf %mul3A_29, %add3A_33 : vector<1000x64xf32>
    %max3A_35 = arith.constant 0.000000e+00 : f32
    %max3A_36 = vector.broadcast %max3A_35 : f32 to vector<1000x64xf32>
    %max3A_37 = arith.maximumf %add3A_34, %max3A_36 : vector<1000x64xf32>
    %get3A_38 = arith.constant 0 : index
    %get3A_39 = arith.constant 0 : index
    %get3A_40 = vector.load %arg5[%get3A_38, %get3A_39] : memref<64x8xf32, #tpu.memory_space<vmem>>, vector<64x8xf32>
    %dot_general3A = arith.constant dense<0.000000e+00> : vector<1000x8xf32>
    %dot_general3A_41 = tpu.matmul %max3A_37, %get3A_40, %dot_general3A {dimension_numbers = #tpu.dot_dimension_numbers<[1], [0], [0], [1], [0, 0, 1, 1], [], []>, transpose_lhs_hint = false} : vector<1000x64xf32>, vector<64x8xf32>, vector<1000x8xf32> -> vector<1000x8xf32>
    %get3A_42 = arith.constant 0 : index
    %get3A_43 = arith.constant 0 : index
    %get3A_44 = vector.load %arg6[%get3A_42, %get3A_43] : memref<1x8xf32, #tpu.memory_space<vmem>>, vector<1x8xf32>
    %add3A_45 = vector.broadcast %get3A_44 : vector<1x8xf32> to vector<1000x8xf32>
    %add3A_46 = arith.addf %dot_general3A_41, %add3A_45 : vector<1000x8xf32>
    %reduce_max3A = arith.constant dense<0xFF800000> : vector<1000xf32>
    %reduce_max3A_47 = vector.multi_reduction <maximumf>, %add3A_46, %reduce_max3A [1] : vector<1000x8xf32> to vector<1000xf32>
    %broadcast_in_dim3A_48 = vector.shape_cast %reduce_max3A_47 : vector<1000xf32> to vector<1000x1xf32>
    %sub3A = vector.broadcast %broadcast_in_dim3A_48 : vector<1000x1xf32> to vector<1000x8xf32>
    %sub3A_49 = arith.subf %add3A_46, %sub3A : vector<1000x8xf32>
    %exp3A = math.exp %sub3A_49 : vector<1000x8xf32>
    %reduce_sum3A = arith.constant dense<0.000000e+00> : vector<1000xf32>
    %reduce_sum3A_50 = vector.multi_reduction <add>, %exp3A, %reduce_sum3A [1] : vector<1000x8xf32> to vector<1000xf32>
    %broadcast_in_dim3A_51 = vector.shape_cast %reduce_sum3A_50 : vector<1000xf32> to vector<1000x1xf32>
    %log3A = math.log %broadcast_in_dim3A_51 : vector<1000x1xf32>
    %add3A_52 = arith.addf %broadcast_in_dim3A_48, %log3A : vector<1000x1xf32>
    %sub3A_53 = vector.broadcast %add3A_52 : vector<1000x1xf32> to vector<1000x8xf32>
    %sub3A_54 = arith.subf %add3A_46, %sub3A_53 : vector<1000x8xf32>
    %swap3A = arith.constant 0 : index
    %swap3A_55 = arith.constant 0 : index
    %swap3A_56 = vector.load %arg7[%swap3A, %swap3A_55] : memref<1000x8xf32, #tpu.memory_space<vmem>>, vector<1000x8xf32>
    tpu.vector_store %arg7[%swap3A, %swap3A_55], %sub3A_54 {strides = array<i32>} : memref<1000x8xf32, #tpu.memory_space<vmem>>, vector<1000x8xf32>,
    return
  }
  func.func @transform_0(%arg0: i32) -> (i32, i32, i32) {
    %c0_i32 = arith.constant 0 : i32
    %c0_i32_0 = arith.constant 0 : i32
    %c0_i32_1 = arith.constant 0 : i32
    return %c0_i32, %arg0, %c0_i32_0 : i32, i32, i32
  }
  func.func @transform_1(%arg0: i32) -> (i32, i32, i32) {
    %c0_i32 = arith.constant 0 : i32
    %c0_i32_0 = arith.constant 0 : i32
    %c0_i32_1 = arith.constant 0 : i32
    return %c0_i32, %arg0, %c0_i32_0 : i32, i32, i32
  }
  func.func @transform_2(%arg0: i32) -> (i32, i32) {
    %c0_i32 = arith.constant 0 : i32
    %c0_i32_0 = arith.constant 0 : i32
    return %arg0, %c0_i32 : i32, i32
  }
  func.func @transform_3(%arg0: i32) -> (i32, i32) {
    %c0_i32 = arith.constant 0 : i32
    %c0_i32_0 = arith.constant 0 : i32
    %c0_i32_1 = arith.constant 0 : i32
    return %c0_i32, %c0_i32_0 : i32, i32
  }
  func.func @transform_4(%arg0: i32) -> (i32, i32) {
    %c0_i32 = arith.constant 0 : i32
    %c0_i32_0 = arith.constant 0 : i32
    %c0_i32_1 = arith.constant 0 : i32
    return %c0_i32, %c0_i32_0 : i32, i32
  }
  func.func @transform_5(%arg0: i32) -> (i32, i32) {
    %c0_i32 = arith.constant 0 : i32
    %c0_i32_0 = arith.constant 0 : i32
    %c0_i32_1 = arith.constant 0 : i32
    return %c0_i32, %c0_i32_0 : i32, i32
  }
  func.func @transform_6(%arg0: i32) -> (i32, i32) {
    %c0_i32 = arith.constant 0 : i32
    %c0_i32_0 = arith.constant 0 : i32
    return %arg0, %c0_i32 : i32, i32
  }
}

</mosaic_0001>

<sc_bundles>
// kernel: kernel.11.cloned.1.call-start
scs
__scs_entry_jumppad:
0x0: {  	(pc) =	sbr.rel $0x88, $3  }
0x1: {  	(tag) =	ssettag $0x0;
	lr =	simm.s32 $0x1  }
0x2: {  	[smem:$0x3F99] =	sst lr;
	_ =	strace $0xD0000000  }
0x3: {  	_ = 	snop  }
0x4: {  	_ = 	snop  }
0x5: {  	_ = 	snop  }
0x6: {  	_ = 	snop  }
0x7: {  	_ = 	snop  }
__scs_overlays_trampoline_lowered:
0x8: {  	[smem:$0x3FA8] =	sst s0  }
0x9: {  	[smem:$0x3FA9] =	sst s1  }
0xa: {  	[smem:$0x3FAA] =	sst s2  }
0xb: {  	[smem:$0x3FAB] =	sst s3  }
0xc: {  	[smem:$0x3FAC] =	sst s4  }
0xd: {  	[smem:$0x3FAD] =	sst s5  }
0xe: {  	[smem:$0x3FAE] =	sst s6  }
0xf: {  	[smem:$0x3FAF] =	sst s7  }
0x10: {  	[smem:$0x3FB0] =	sst s8  }
0x11: {  	[smem:$0x3FB1] =	sst s9;
	s0 =	simm.s32 @!p0 $0x0  }
0x12: {  	s1 =	sld [smem:$0x3F97];
	s0 =	simm.s32 @p0 $0x1  }
0x13: {  	[smem:$0x3FB2] =	sst s0;
	s0 =	simm.s32 @!p1 $0x0  }
0x14: {  	s2 =	sld [smem:$0x3F96];
	s0 =	simm.s32 @p1 $0x1  }
0x15: {  	[smem:$0x3FB3] =	sst s0;
	s0 =	simm.s32 @!p2 $0x0  }
0x16: {  	s3 =	sld [smem:$0x3FDB];
	s0 =	simm.s32 @p2 $0x1  }
0x17: {  	s4 =	simm.s32 $0x1BF5;
	[smem:$0x3FB5] =	sst s0  }
0x18: {  	s0 =	sld [smem:$0x3F98];
	_ =	swait.ge [sflag:s4], $0x0  }
0x19: {  	s7 =	sld [smem:$0x3F99]  }
0x1a: {  	s8 =	sadd.s32 $0xFFFFE003, lr  }
0x1b: {  	s9 =	sadd.s32 $0xFFFFFEF7, lr;
	s5 =	simm.s32 $0xFFFFFFFF;
	p2 =	slt.u32 s8, $0xFFFFF086  }
0x1c: {  	p1 =	slt.u32 s9, $0xF7A;
	s5 =	simm.s32 @!p2 $0x0  }
0x1d: {  	s5 =	simm.s32 @p1 $0x1;
	p0 =	seq.s32 s7, s2  }
0x1e: {  	s7 =	smul.u32 @!p0 $0xF7A, s2;
	p2 =	seq.s32 @!p0 s5, $0x0  }
0x1f: {  	s9 =	smul.u32 $0xF7A, s1;
	s8 =	simm.s32 @!p0 $0x1BF5;
	p2 =	por !p2, p0  }
0x20: {  	[sflag:s8] =	ssyncset.s32 @!p0 $0xFFFFF086;
	s6 =	sadd.s32 @!p0 s3, s7;
	s7 =	simm.s32 @!p0 $0x108  }
0x21: {  	s3 =	sadd.s32 s3, s9;
	s6 =	sadd.s32 @!p0 $0x88, s6;
	s7 =	simm.s32 @p2 $0x1082  }
0x22: {  	[simem:s7], [sflag:s8] =	dma.local @!p0 [hbm:s6], $0xF7A  }
0x23: {  	s9 =	sor.u32 $0xD0000000, s2;
	s6 =	simm.s32 $0x108;
	_ =	swait.ge @!p0 [sflag:s8], $0x0  }
0x24: {  	s3 =	sadd.s32 $0x88, s3;
	s6 =	simm.s32 @!p1 $0x1082;
	[sflag:s4] =	ssyncset.s32 $0xFFFFF086  }
0x25: {  	[simem:s6], [sflag:s4] =	dma.local [hbm:s3], $0xF7A  }
0x26: {  	[smem:$0x3F99] =	sst s1;
	(tag) =	ssettag s2;
	_ =	strace s9  }
0x27: {  	s1 =	sld [smem:$0x3FA9]  }
0x28: {  	s2 =	sld [smem:$0x3FAA]  }
0x29: {  	s4 =	sld [smem:$0x3FAC]  }
0x2a: {  	p0 =	seq.s32 s5, $0x0;
	s5 =	sld [smem:$0x3FAD]  }
0x2b: {  	s6 =	sld [smem:$0x3FAE]  }
0x2c: {  	s7 =	sld [smem:$0x3FAF]  }
0x2d: {  	s3 =	simm.s32 $0x108;
	s8 =	sld [smem:$0x3FB0]  }
0x2e: {  	s3 =	simm.s32 @!p0 $0x1082;
	s9 =	sld [smem:$0x3FB1]  }
0x2f: {  	lr =	sadd.s32 s0, s3;
	s0 =	sld [smem:$0x3FA8]  }
0x30: {  	s3 =	sld [smem:$0x3FAB]  }
0x31: {  	[smem:$0x3FB4] =	sst s10  }
0x32: {  	s10 =	sld [smem:$0x3FB2];
	_ =	sdelay $0x3  }
0x33: {  	p0 =	seq.s32 s10, $0x1;
	s10 =	sld [smem:$0x3FB4];
	_ =	sdelay $0x3  }
0x34: {  	[smem:$0x3FB4] =	sst s10  }
0x35: {  	s10 =	sld [smem:$0x3FB3];
	_ =	sdelay $0x3  }
0x36: {  	p1 =	seq.s32 s10, $0x1;
	s10 =	sld [smem:$0x3FB4];
	_ =	sdelay $0x3  }
0x37: {  	[smem:$0x3FB4] =	sst s10  }
0x38: {  	s10 =	sld [smem:$0x3FB5]  }
0x39: {  	_ = 	snop;
	(pc) =	sbr.ind lr, $3  }
0x3a: {  	_ = 	snop  }
0x3b: {  	_ = 	snop  }
0x3c: {  	p2 =	seq.s32 s10, $0x1;
	s10 =	sld [smem:$0x3FB4]  }
0x3d: {  	_ =	shalt  }
0x3e: {  	_ =	shalt  }
0x3f: {  	_ =	shalt  }
0x40: {  	_ =	shalt  }
0x41: {  	_ =	shalt  }
0x42: {  	_ =	shalt  }
0x43: {  	_ =	shalt  }
0x44: {  	_ =	shalt  }
0x45: {  	_ =	shalt  }
0x46: {  	_ =	shalt  }
0x47: {  	_ =	shalt  }
0x48: {  	_ =	shalt  }
0x49: {  	_ =	shalt  }
0x4a: {  	_ =	shalt  }
0x4b: {  	_ =	shalt  }
0x4c: {  	_ =	shalt  }
0x4d: {  	_ =	shalt  }
0x4e: {  	_ =	shalt  }
0x4f: {  	_ =	shalt  }
0x50: {  	_ =	shalt  }
0x51: {  	_ =	shalt  }
0x52: {  	_ =	shalt  }
0x53: {  	_ =	shalt  }
0x54: {  	_ =	shalt  }
0x55: {  	_ =	shalt  }
0x56: {  	_ =	shalt  }
0x57: {  	_ =	shalt  }
0x58: {  	_ =	shalt  }
0x59: {  	_ =	shalt  }
0x5a: {  	_ =	shalt  }
0x5b: {  	_ =	shalt  }
0x5c: {  	_ =	shalt  }
0x5d: {  	_ =	shalt  }
0x5e: {  	_ =	shalt  }
0x5f: {  	_ =	shalt  }
0x60: {  	_ =	shalt  }
0x61: {  	_ =	shalt  }
0x62: {  	_ =	shalt  }
0x63: {  	_ =	shalt  }
0x64: {  	_ =	shalt  }
0x65: {  	_ =	shalt  }
0x66: {  	_ =	shalt  }
0x67: {  	_ =	shalt  }
0x68: {  	_ =	shalt  }
0x69: {  	_ =	shalt  }
0x6a: {  	_ =	shalt  }
0x6b: {  	_ =	shalt  }
0x6c: {  	_ =	shalt  }
0x6d: {  	_ =	shalt  }
0x6e: {  	_ =	shalt  }
0x6f: {  	_ =	shalt  }
0x70: {  	_ =	shalt  }
0x71: {  	_ =	shalt  }
0x72: {  	_ =	shalt  }
0x73: {  	_ =	shalt  }
0x74: {  	_ =	shalt  }
0x75: {  	_ =	shalt  }
0x76: {  	_ =	shalt  }
0x77: {  	_ =	shalt  }
0x78: {  	_ =	shalt  }
0x79: {  	_ =	shalt  }
0x7a: {  	_ =	shalt  }
0x7b: {  	_ =	shalt  }
0x7c: {  	_ =	shalt  }
0x7d: {  	_ =	shalt  }
0x7e: {  	_ =	shalt  }
0x7f: {  	_ =	shalt  }
0x80: {  	_ =	shalt  }
0x81: {  	_ =	shalt  }
0x82: {  	_ =	shalt  }
0x83: {  	_ =	shalt  }
0x84: {  	_ =	shalt  }
0x85: {  	_ =	shalt  }
0x86: {  	_ =	shalt  }
0x87: {  	_ =	shalt  }
.Lfunc_end0:
.L_simem_size_0:
called_computation.1_lowered:
.L_overlay_start_0:
0x88: {  	s2 =	sld [smem:$0x3FD9]  }
0x89: {  	s3 =	sld [smem:$0x3FFE];
	_ =	sdelay $0x1  }
0x8a: {  	s1 =	srdreg.scid  }
0x8b: {  	s0 =	sand.u32 $0x1, s1  }
0x8c: {  	s16 =	sshll.u32 s0, $0xA;
	s2 =	sadd.s32 s3, s2  }
0x8d: {  	s2 =	sadd.s32 s2, s16  }
0x8e: {  	[smem:$0x3FC0] =	sst s2  }
0x8f: {  	_ = 	snop  }
0x90: {  	(tm) =	ssettm $0x1  }
0x91: {  	s17 =	sld [smem:$0x3FFB];
	_ =	sdelay $0x3  }
0x92: {  	_ =	strace s17  }
0x93: {  	s2 =	sld [smem:$0x3FFC];
	_ =	sdelay $0x3  }
0x94: {  	_ =	strace s2  }
0x95: {  	s2 =	sld [smem:$0x3FFD];
	_ =	sdelay $0x3  }
0x96: {  	_ =	strace s2  }
0x97: {  	_ =	strace $0x8FFFFFFF  }
0x98: {  	s18 =	sld [smem:$0x3FDB];
	_ =	sdelay $0x1  }
0x99: {  	s19 =	simm.s32 $_scs_section_size  }
0x9a: {  	s4 =	simm.s32 $_size__tile_overlayer_lowered;
	s5 =	simm.s32 $_tile_overlayer_lowered  }
0x9b: {  	s22 =	simm.s32 $0x1BFF;
	s21 =	sshll.u32 s5, $0x1;
	s2 =	sadd.s32 s19, s18  }
0x9c: {  	s6 =	simm.s32 $0x0;
	s20 =	sshll.u32 s4, $0x1;
	s4 =	sadd.s32 s21, s2  }
0x9d: {  	[timem:s6], [sflag:s22] =	dma.local [hbm:s4], s20  }
0x9e: {  	_ =	swait.ge [sflag:s22], s20  }
0x9f: {  	s3 =	ssub.s32 $0x0, s20;
	[sflag:s22] =	ssyncset.done $0x0  }
0xa0: {  	[sflag:s22] =	ssyncadd.s32 s3;
	_ =	sdelay $0x1  }
0xa1: {  	s23 =	simm.s32 $0x1B8B  }
0xa2: {  	_ =	swait.ge [sflag:s23], $0x1  }
0xa3: {  	[sflag:s23] =	ssyncset.done $0x0  }
0xa4: {  	s25 =	simm.s32 $0x1B8E;
	s24 =	sld [smem:$0x3FFE];
	[sflag:s23] =	ssyncadd.s32 $0xFFFFFFFF  }
0xa5: {  	s26 =	simm.s32 $execute0_lowered;
	[smem:$0x3FD2] =	sst s25  }
0xa6: {  	s4 =	sshll.u32 s26, $0x1;
	_ =	strace $0x80000049;
	[dreg:$0x1] =	wrdreg $0xFFFFFFFF  }
0xa7: {  	s28 =	simm.s32 $_size_execute0_lowered;
	s2 =	sadd.s32 s2, s4;
	[dreg:$0x0] =	wrdreg $0x0  }
0xa8: {  	s4 =	sshll.u32 s28, $0x1;
	[dreg:$0x2] =	wrdreg s2  }
0xa9: {  	[dreg:$0x3] =	wrdreg s4  }
0xaa: {  	[dreg:$0x4] =	wrdreg $0xC0  }
0xab: {  	_ =	task [dreg:s6], $0x5FFFF  }
0xac: {  	[dreg:$0x1] =	wrdreg $0xFFFFFFFF  }
0xad: {  	[dreg:$0x0] =	wrdreg $0x60  }
0xae: {  	[dreg:$0x2] =	wrdreg s24  }
0xaf: {  	[dreg:$0x3] =	wrdreg $0x50000  }
0xb0: {  	[dreg:$0x4] =	wrdreg $0x9  }
0xb1: {  	_ =	task.clear_ibuf [dreg:s6], $0x5FFFF;
	_ =	strace $0x90000049  }
0xb2: {  	s29 =	simm.s32 $0x9;
	_ =	strace $0x8000004B  }
0xb3: {  	_ =	swait.ge [sflag:s29], $0x1  }
0xb4: {  	[sflag:s29] =	ssyncadd.s32 $0xFFFFFFFF  }
0xb5: {  	_ =	strace $0x9000004B  }
0xb6: {  	_ =	sfence  }
0xb7: {  	s30 =	sld [smem:$0x0];
	_ =	sdelay $0x2  }
0xb8: {  	s31 =	sshll.u32 s1, $0xD;
	s1 =	sshrl.u32 s1, $0x2  }
0xb9: {  	s3 =	sand.u32 $0x4000, s31;
	s1 =	sadd.s32 s1, s30  }
0xba: {  	s0 =	sor.u32 s3, s0;
	s1 =	sshll.u32 s1, $0x11  }
0xbb: {  	s0 =	sor.u32 s1, s0  }
0xbc: {  	s0 =	sadd.s32 $0x8F2B, s0  }
0xbd: {  	[sflag:s0] =	ssyncadd.remote.s32 $0x1  }
0xbe: {  	_ =	sfence.sel $0xFFFF  }
0xbf: {  	[dreg:$0x0] =	wrdreg $0xFFFFFFFF;
	(pc) =	sbr.abs _section_cstart, $3  }
0xc0: {  	[dreg:$0x1] =	wrdreg $0xFFFFFFFF  }
0xc1: {  	_ =	task.clear_ibuf [dreg:s6], $0x2FFFF;
	_ =	strace $0x9FFFFFFF  }
0xc2: {  	(tm) =	ssettm $0x7FFFFFFF  }
0xc3: {  	_ =	shalt  }
tec
execute0_lowered:
.L_overlay_start_1:
0x0: {  	(tag) =	ssettag $0x1  }
0x1: {  	s1 =	rddreg [dreg:$0x0]  }
0x2: {  	s0 =	srdreg.scid;
	s2 =	rddreg [dreg:$0x1]  }
0x3: {  	s11 =	stileid.u32;
	s3 =	simm.s32 $0x0;
	s12 =	simm.s32 $0x80  }
0x4: {  	s13 =	simm.s32 $0x100;
	s15 =	simm.s32 $0x880;
	[smem:$0x7FF] =	sst s3  }
0x5: {  	s16 =	simm.s32 $0x180;
	_ =	strace $0x8000004A;
	[dreg:$0x5] =	wrdreg s12  }
0x6: {  	s17 =	simm.s32 $0x900;
	s18 =	simm.s32 $0x200;
	[dreg:$0x6] =	wrdreg s13  }
0x7: {  	s19 =	simm.s32 $0x980;
	s20 =	simm.s32 $0x280;
	[dreg:$0x7] =	wrdreg s15  }
0x8: {  	s21 =	simm.s32 $0xA00;
	s22 =	simm.s32 $0x300;
	[dreg:$0x8] =	wrdreg s16  }
0x9: {  	s23 =	simm.s32 $0xA80;
	s24 =	simm.s32 $0x380;
	[dreg:$0x9] =	wrdreg s17  }
0xa: {  	s28 =	simm.s32 $0x680;
	s29 =	simm.s32 $0xE00;
	[dreg:$0xa] =	wrdreg s18  }
0xb: {  	s30 =	simm.s32 $0x700;
	s31 =	simm.s32 $0xE80;
	[dreg:$0xb] =	wrdreg s19  }
0xc: {  	s0 =	sand.u32 $0x1, s0;
	s6 =	smul.u32 $0x2780, s11;
	[dreg:$0xc] =	wrdreg s20  }
0xd: {  	s10 =	smul.u32 $0x4F000, s11;
	s14 =	sshll.u32 s11, $0x6;
	[dreg:$0xd] =	wrdreg s21  }
0xe: {  	s4 =	sshll.u32 s0, $0x4;
	s7 =	smul.u32 $0x27800, s0;
	[dreg:$0xe] =	wrdreg s22  }
0xf: {  	s0 =	ssub.s32 $0x2, s0;
	s12 =	simm.s32 $0x1000;
	[dreg:$0xf] =	wrdreg s23  }
0x10: {  	s13 =	simm.s32 $0x3000;
	[dreg:$0x10] =	wrdreg s24;
	s15 =	simm.s32 $0x2  }
0x11: {  	s16 =	simm.s32 $0x400;
	s17 =	simm.s32 $0xB80;
	s18 =	simm.s32 $0x480  }
0x12: {  	s19 =	simm.s32 $0xC00;
	s20 =	simm.s32 $0x500;
	s21 =	simm.s32 $0xC80  }
0x13: {  	s22 =	simm.s32 $0x580;
	s23 =	simm.s32 $0xD00;
	s24 =	simm.s32 $0x0  }
0x14: {  	s4 =	sor.u32 s11, s4;
	s8 =	sadd.s32 s6, s1;
	s9 =	sshrl.u32 s0, $0x1  }
0x15: {  	s26 =	sshrl.u32 s10, $0x2;
	s11 =	simm.s32 $0x40;
	s5 =	smul.u32 $0xA00, s4  }
0x16: {  	s4 =	sadd.s32 $0x3D800, s1;
	s0 =	ssub.s32 s0, s9;
	s8 =	sadd.s32 $0x16000, s8  }
0x17: {  	s10 =	sadd.s32 s26, s2;
	s9 =	simm.s32 $0x3;
	[dreg:$0x12] =	wrdreg s8  }
0x18: {  	s8 =	sor.u32 $0x1C03, s14;
	s0 =	smax.u32 s0, $0x1;
	s14 =	simm.s32 $0x1  }
0x19: {  	s5 =	sadd.s32 s5, s1;
	s1 =	sadd.s32 s7, s1;
	[dreg:$0x14] =	wrdreg s0  }
0x1a: {  	s7 =	sshrl.u32 s10, $0x3;
	s10 =	simm.s32 $0x800;
	[dreg:$0x13] =	wrdreg s8  }
0x1b: {  	s0 =	simm.s32 $0x780;
	s25 =	sadd.s32 $0x8C800, s5;
	[dreg:$0x15] =	wrdreg s7  }
0x1c: {  	s5 =	sadd.s32 $0x2000, s5;
	s1 =	sadd.s32 $0xA0800, s1;
	[dreg:$0x3] =	wrdreg s25  }
0x1d: {  	[dreg:$0x4] =	wrdreg s5;
	s25 =	simm.s32 $0xB00;
	s26 =	sadd.s32 s6, s1  }
0x1e: {  	s1 =	simm.s32 $0xF00;
	s5 =	simm.s32 $0xF80;
	[dreg:$0x11] =	wrdreg s25  }
0x1f: {  	[dreg:$0x16] =	wrdreg s26;
	s25 =	simm.s32 $0x600;
	s26 =	simm.s32 $0xD80  }
.LBB2_1:
0x20: {  	[dreg:$0x17] =	wrdreg s24  }
0x21: {  	s6 =	rddreg [dreg:$0x12]  }
0x22: {  	[spmem:s7], [sflag:s8] =	dma.local [hbm:s6], $0x2780  }
0x23: {  	_ =	swait.ge [sflag:s9], $0x2780  }
0x24: {  	[sflag:s9] =	ssyncset.done $0x0  }
0x25: {  	[sflag:s9] =	ssyncadd.s32 $0xFFFFD880  }
0x26: {  	[bflag:$0x0] =	sbarrier.arrive $0xFFFF  }
0x27: {  	s7 =	rddreg [dreg:$0x3]  }
0x28: {  	s6 =	sadd.s32 $0x0, s7  }
0x29: {  	[tilespmem:s3], [sflag:$0x3] =	stream.linear.gather [hbm4b:s6+s3], $0x800, $0x38;
	[tilespmem:$0x18C00] =	vst v63  }
0x2a: {  	_ =	swait.ge [sflag:s9], $0x800  }
0x2b: {  	s8 =	rddreg [dreg:$0x4];
	[sflag:s9] =	ssyncset.done $0x0  }
0x2c: {  	[sflag:s9] =	ssyncadd.s32 $0xFFFFF800;
	s6 =	sadd.s32 $0x0, s8  }
0x2d: {  	[tilespmem:s10], [sflag:$0x3] =	stream.linear.gather [hbm4b:s6+s3], $0x800, $0x38;
	[tilespmem:$0x18C00] =	vst v63  }
0x2e: {  	_ =	swait.ge [sflag:s9], $0x800  }
0x2f: {  	[sflag:s9] =	ssyncset.done $0x0  }
0x30: {  	[sflag:s9] =	ssyncadd.s32 $0xFFFFF800  }
0x31: {  	[tilespmem:s12], [sflag:$0x1] =	stream.indirect.gather [hbm4b:s4+s11], $0x80, s3, s11, $0xb8;
	[tilespmem:$0x18C00] =	vst v63  }
0x32: {  	s24 =	rddreg [dreg:$0x5]  }
0x33: {  	[tilespmem:s13], [sflag:$0x2] =	stream.indirect.gather [hbm4b:s4+s11], $0x80, s24, s11, $0xb8;
	[tilespmem:$0x18C00] =	vst v63  }
0x34: {  	_ =	swait.ge [sflag:s14], $0x2000  }
0x35: {  	[sflag:s14] =	ssyncset.done $0x0  }
0x36: {  	[sflag:s14] =	ssyncadd.s32 $0xFFFFE000  }
0x37: {  	[spmem:s2] =	stream.indirect.scatter.add.f32 [tilespmem:s12], [sflag:$0x3], $0x80, s10, s11, $0xb8;
	[tilespmem:$0x18C00] =	vst v63  }
0x38: {  	_ =	swait.ge [sflag:s9], $0x2000  }
0x39: {  	[sflag:s9] =	ssyncset.done $0x0  }
0x3a: {  	s7 =	rddreg [dreg:$0x6];
	[sflag:s9] =	ssyncadd.s32 $0xFFFFE000  }
0x3b: {  	[tilespmem:s12], [sflag:$0x1] =	stream.indirect.gather [hbm4b:s4+s11], $0x80, s7, s11, $0xb8;
	[tilespmem:$0x18C00] =	vst v63  }
0x3c: {  	_ =	swait.ge [sflag:s15], $0x2000  }
0x3d: {  	[sflag:s15] =	ssyncset.done $0x0  }
0x3e: {  	s8 =	rddreg [dreg:$0x7];
	[sflag:s15] =	ssyncadd.s32 $0xFFFFE000  }
0x3f: {  	[spmem:s2] =	stream.indirect.scatter.add.f32 [tilespmem:s13], [sflag:$0x3], $0x80, s8, s11, $0xb8;
	[tilespmem:$0x18C00] =	vst v63  }
0x40: {  	_ =	swait.ge [sflag:s9], $0x2000  }
0x41: {  	[sflag:s9] =	ssyncset.done $0x0  }
0x42: {  	s24 =	rddreg [dreg:$0x8];
	[sflag:s9] =	ssyncadd.s32 $0xFFFFE000  }
0x43: {  	[tilespmem:s13], [sflag:$0x2] =	stream.indirect.gather [hbm4b:s4+s11], $0x80, s24, s11, $0xb8;
	[tilespmem:$0x18C00] =	vst v63  }
0x44: {  	_ =	swait.ge [sflag:s14], $0x2000  }
0x45: {  	[sflag:s14] =	ssyncset.done $0x0  }
0x46: {  	s7 =	rddreg [dreg:$0x9];
	[sflag:s14] =	ssyncadd.s32 $0xFFFFE000  }
0x47: {  	[spmem:s2] =	stream.indirect.scatter.add.f32 [tilespmem:s12], [sflag:$0x3], $0x80, s7, s11, $0xb8;
	[tilespmem:$0x18C00] =	vst v63  }
0x48: {  	_ =	swait.ge [sflag:s9], $0x2000  }
0x49: {  	[sflag:s9] =	ssyncset.done $0x0  }
0x4a: {  	s8 =	rddreg [dreg:$0xa];
	[sflag:s9] =	ssyncadd.s32 $0xFFFFE000  }
0x4b: {  	[tilespmem:s12], [sflag:$0x1] =	stream.indirect.gather [hbm4b:s4+s11], $0x80, s8, s11, $0xb8;
	[tilespmem:$0x18C00] =	vst v63  }
0x4c: {  	_ =	swait.ge [sflag:s15], $0x2000  }
0x4d: {  	[sflag:s15] =	ssyncset.done $0x0  }
0x4e: {  	s24 =	rddreg [dreg:$0xb];
	[sflag:s15] =	ssyncadd.s32 $0xFFFFE000  }
0x4f: {  	[spmem:s2] =	stream.indirect.scatter.add.f32 [tilespmem:s13], [sflag:$0x3], $0x80, s24, s11, $0xb8;
	[tilespmem:$0x18C00] =	vst v63  }
0x50: {  	_ =	swait.ge [sflag:s9], $0x2000  }
0x51: {  	[sflag:s9] =	ssyncset.done $0x0  }
0x52: {  	s7 =	rddreg [dreg:$0xc];
	[sflag:s9] =	ssyncadd.s32 $0xFFFFE000  }
0x53: {  	[tilespmem:s13], [sflag:$0x2] =	stream.indirect.gather [hbm4b:s4+s11], $0x80, s7, s11, $0xb8;
	[tilespmem:$0x18C00] =	vst v63  }
0x54: {  	_ =	swait.ge [sflag:s14], $0x2000  }
0x55: {  	[sflag:s14] =	ssyncset.done $0x0  }
0x56: {  	s8 =	rddreg [dreg:$0xd];
	[sflag:s14] =	ssyncadd.s32 $0xFFFFE000  }
0x57: {  	[spmem:s2] =	stream.indirect.scatter.add.f32 [tilespmem:s12], [sflag:$0x3], $0x80, s8, s11, $0xb8;
	[tilespmem:$0x18C00] =	vst v63  }
0x58: {  	_ =	swait.ge [sflag:s9], $0x2000  }
0x59: {  	[sflag:s9] =	ssyncset.done $0x0  }
0x5a: {  	s24 =	rddreg [dreg:$0xe];
	[sflag:s9] =	ssyncadd.s32 $0xFFFFE000  }
0x5b: {  	[tilespmem:s12], [sflag:$0x1] =	stream.indirect.gather [hbm4b:s4+s11], $0x80, s24, s11, $0xb8;
	[tilespmem:$0x18C00] =	vst v63  }
0x5c: {  	_ =	swait.ge [sflag:s15], $0x2000  }
0x5d: {  	[sflag:s15] =	ssyncset.done $0x0  }
0x5e: {  	s7 =	rddreg [dreg:$0xf];
	[sflag:s15] =	ssyncadd.s32 $0xFFFFE000  }
0x5f: {  	[spmem:s2] =	stream.indirect.scatter.add.f32 [tilespmem:s13], [sflag:$0x3], $0x80, s7, s11, $0xb8;
	[tilespmem:$0x18C00] =	vst v63  }
0x60: {  	_ =	swait.ge [sflag:s9], $0x2000  }
0x61: {  	[sflag:s9] =	ssyncset.done $0x0  }
0x62: {  	s8 =	rddreg [dreg:$0x10];
	[sflag:s9] =	ssyncadd.s32 $0xFFFFE000  }
0x63: {  	[tilespmem:s13], [sflag:$0x2] =	stream.indirect.gather [hbm4b:s4+s11], $0x80, s8, s11, $0xb8;
	[tilespmem:$0x18C00] =	vst v63  }
0x64: {  	_ =	swait.ge [sflag:s14], $0x2000  }
0x65: {  	[sflag:s14] =	ssyncset.done $0x0  }
0x66: {  	s24 =	rddreg [dreg:$0x11];
	[sflag:s14] =	ssyncadd.s32 $0xFFFFE000  }
0x67: {  	[spmem:s2] =	stream.indirect.scatter.add.f32 [tilespmem:s12], [sflag:$0x3], $0x80, s24, s11, $0xb8;
	[tilespmem:$0x18C00] =	vst v63  }
0x68: {  	_ =	swait.ge [sflag:s9], $0x2000  }
0x69: {  	[sflag:s9] =	ssyncset.done $0x0  }
0x6a: {  	[sflag:s9] =	ssyncadd.s32 $0xFFFFE000  }
0x6b: {  	[tilespmem:s12], [sflag:$0x1] =	stream.indirect.gather [hbm4b:s4+s11], $0x80, s16, s11, $0xb8;
	[tilespmem:$0x18C00] =	vst v63  }
0x6c: {  	_ =	swait.ge [sflag:s15], $0x2000  }
0x6d: {  	[sflag:s15] =	ssyncset.done $0x0  }
0x6e: {  	[sflag:s15] =	ssyncadd.s32 $0xFFFFE000  }
0x6f: {  	[spmem:s2] =	stream.indirect.scatter.add.f32 [tilespmem:s13], [sflag:$0x3], $0x80, s17, s11, $0xb8;
	[tilespmem:$0x18C00] =	vst v63  }
0x70: {  	_ =	swait.ge [sflag:s9], $0x2000  }
0x71: {  	[sflag:s9] =	ssyncset.done $0x0  }
0x72: {  	[sflag:s9] =	ssyncadd.s32 $0xFFFFE000  }
0x73: {  	[tilespmem:s13], [sflag:$0x2] =	stream.indirect.gather [hbm4b:s4+s11], $0x80, s18, s11, $0xb8;
	[tilespmem:$0x18C00] =	vst v63  }
0x74: {  	_ =	swait.ge [sflag:s14], $0x2000  }
0x75: {  	[sflag:s14] =	ssyncset.done $0x0  }
0x76: {  	[sflag:s14] =	ssyncadd.s32 $0xFFFFE000  }
0x77: {  	[spmem:s2] =	stream.indirect.scatter.add.f32 [tilespmem:s12], [sflag:$0x3], $0x80, s19, s11, $0xb8;
	[tilespmem:$0x18C00] =	vst v63  }
0x78: {  	_ =	swait.ge [sflag:s9], $0x2000  }
0x79: {  	[sflag:s9] =	ssyncset.done $0x0  }
0x7a: {  	[sflag:s9] =	ssyncadd.s32 $0xFFFFE000  }
0x7b: {  	[tilespmem:s12], [sflag:$0x1] =	stream.indirect.gather [hbm4b:s4+s11], $0x80, s20, s11, $0xb8;
	[tilespmem:$0x18C00] =	vst v63  }
0x7c: {  	_ =	swait.ge [sflag:s15], $0x2000  }
0x7d: {  	[sflag:s15] =	ssyncset.done $0x0  }
0x7e: {  	[sflag:s15] =	ssyncadd.s32 $0xFFFFE000  }
0x7f: {  	[spmem:s2] =	stream.indirect.scatter.add.f32 [tilespmem:s13], [sflag:$0x3], $0x80, s21, s11, $0xb8;
	[tilespmem:$0x18C00] =	vst v63  }
0x80: {  	_ =	swait.ge [sflag:s9], $0x2000  }
0x81: {  	[sflag:s9] =	ssyncset.done $0x0  }
0x82: {  	[sflag:s9] =	ssyncadd.s32 $0xFFFFE000  }
0x83: {  	[tilespmem:s13], [sflag:$0x2] =	stream.indirect.gather [hbm4b:s4+s11], $0x80, s22, s11, $0xb8;
	[tilespmem:$0x18C00] =	vst v63  }
0x84: {  	_ =	swait.ge [sflag:s14], $0x2000  }
0x85: {  	[sflag:s14] =	ssyncset.done $0x0  }
0x86: {  	[sflag:s14] =	ssyncadd.s32 $0xFFFFE000  }
0x87: {  	[spmem:s2] =	stream.indirect.scatter.add.f32 [tilespmem:s12], [sflag:$0x3], $0x80, s23, s11, $0xb8;
	[tilespmem:$0x18C00] =	vst v63  }
0x88: {  	_ =	swait.ge [sflag:s9], $0x2000  }
0x89: {  	[sflag:s9] =	ssyncset.done $0x0  }
0x8a: {  	[sflag:s9] =	ssyncadd.s32 $0xFFFFE000  }
0x8b: {  	[tilespmem:s12], [sflag:$0x1] =	stream.indirect.gather [hbm4b:s4+s11], $0x80, s25, s11, $0xb8;
	[tilespmem:$0x18C00] =	vst v63  }
0x8c: {  	_ =	swait.ge [sflag:s15], $0x2000  }
0x8d: {  	[sflag:s15] =	ssyncset.done $0x0  }
0x8e: {  	[sflag:s15] =	ssyncadd.s32 $0xFFFFE000  }
0x8f: {  	[spmem:s2] =	stream.indirect.scatter.add.f32 [tilespmem:s13], [sflag:$0x3], $0x80, s26, s11, $0xb8;
	[tilespmem:$0x18C00] =	vst v63  }
0x90: {  	_ =	swait.ge [sflag:s9], $0x2000  }
0x91: {  	[sflag:s9] =	ssyncset.done $0x0  }
0x92: {  	[sflag:s9] =	ssyncadd.s32 $0xFFFFE000  }
0x93: {  	[tilespmem:s13], [sflag:$0x2] =	stream.indirect.gather [hbm4b:s4+s11], $0x80, s28, s11, $0xb8;
	[tilespmem:$0x18C00] =	vst v63  }
0x94: {  	_ =	swait.ge [sflag:s14], $0x2000  }
0x95: {  	[sflag:s14] =	ssyncset.done $0x0  }
0x96: {  	[sflag:s14] =	ssyncadd.s32 $0xFFFFE000  }
0x97: {  	[spmem:s2] =	stream.indirect.scatter.add.f32 [tilespmem:s12], [sflag:$0x3], $0x80, s29, s11, $0xb8;
	[tilespmem:$0x18C00] =	vst v63  }
0x98: {  	_ =	swait.ge [sflag:s9], $0x2000  }
0x99: {  	[sflag:s9] =	ssyncset.done $0x0  }
0x9a: {  	[sflag:s9] =	ssyncadd.s32 $0xFFFFE000  }
0x9b: {  	[tilespmem:s12], [sflag:$0x1] =	stream.indirect.gather [hbm4b:s4+s11], $0x80, s30, s11, $0xb8;
	[tilespmem:$0x18C00] =	vst v63  }
0x9c: {  	_ =	swait.ge [sflag:s15], $0x2000  }
0x9d: {  	[sflag:s15] =	ssyncset.done $0x0  }
0x9e: {  	[sflag:s15] =	ssyncadd.s32 $0xFFFFE000  }
0x9f: {  	[spmem:s2] =	stream.indirect.scatter.add.f32 [tilespmem:s13], [sflag:$0x3], $0x80, s31, s11, $0xb8;
	[tilespmem:$0x18C00] =	vst v63  }
0xa0: {  	_ =	swait.ge [sflag:s9], $0x2000  }
0xa1: {  	[sflag:s9] =	ssyncset.done $0x0  }
0xa2: {  	[sflag:s9] =	ssyncadd.s32 $0xFFFFE000  }
0xa3: {  	[tilespmem:s13], [sflag:$0x2] =	stream.indirect.gather [hbm4b:s4+s11], $0x80, s0, s11, $0xb8;
	[tilespmem:$0x18C00] =	vst v63  }
0xa4: {  	_ =	swait.ge [sflag:s14], $0x2000  }
0xa5: {  	[sflag:s14] =	ssyncset.done $0x0  }
0xa6: {  	[sflag:s14] =	ssyncadd.s32 $0xFFFFE000  }
0xa7: {  	[spmem:s2] =	stream.indirect.scatter.add.f32 [tilespmem:s12], [sflag:$0x3], $0x80, s1, s11, $0xb8;
	[tilespmem:$0x18C00] =	vst v63  }
0xa8: {  	_ =	swait.ge [sflag:s9], $0x2000  }
0xa9: {  	[sflag:s9] =	ssyncset.done $0x0  }
0xaa: {  	[sflag:s9] =	ssyncadd.s32 $0xFFFFE000  }
0xab: {  	_ =	swait.ge [sflag:s15], $0x2000  }
0xac: {  	[sflag:s15] =	ssyncset.done $0x0  }
0xad: {  	[sflag:s15] =	ssyncadd.s32 $0xFFFFE000  }
0xae: {  	[spmem:s2] =	stream.indirect.scatter.add.f32 [tilespmem:s13], [sflag:$0x3], $0x80, s5, s11, $0xb8;
	[tilespmem:$0x18C00] =	vst v63  }
0xaf: {  	s6 =	simm.s32 $0x200;
	_ =	swait.ge [sflag:s9], $0x2000  }
0xb0: {  	s24 =	simm.s32 $0x100;
	s8 =	rddreg [dreg:$0x3];
	[sflag:s9] =	ssyncset.done $0x0  }
.LBB2_2:
0xb1: {  	[sflag:s9] =	ssyncadd.s32 $0xFFFFE000;
	s8 =	sadd.s32 s24, s8  }
0xb2: {  	[tilespmem:s3], [sflag:$0x3] =	stream.linear.gather [hbm4b:s8+s3], $0x800, $0x38;
	[tilespmem:$0x18C00] =	vst v63  }
0xb3: {  	_ =	swait.ge [sflag:s9], $0x800  }
0xb4: {  	s8 =	rddreg [dreg:$0x4];
	[sflag:s9] =	ssyncset.done $0x0  }
0xb5: {  	[sflag:s9] =	ssyncadd.s32 $0xFFFFF800;
	s8 =	sadd.s32 s24, s8  }
0xb6: {  	[tilespmem:s10], [sflag:$0x3] =	stream.linear.gather [hbm4b:s8+s3], $0x800, $0x38;
	[tilespmem:$0x18C00] =	vst v63  }
0xb7: {  	_ =	swait.ge [sflag:s9], $0x800  }
0xb8: {  	[sflag:s9] =	ssyncset.done $0x0  }
0xb9: {  	[sflag:s9] =	ssyncadd.s32 $0xFFFFF800  }
0xba: {  	[tilespmem:s12], [sflag:$0x1] =	stream.indirect.gather [hbm4b:s4+s11], $0x80, s3, s11, $0xb8;
	[tilespmem:$0x18C00] =	vst v63  }
0xbb: {  	s8 =	rddreg [dreg:$0x5]  }
0xbc: {  	[tilespmem:s13], [sflag:$0x2] =	stream.indirect.gather [hbm4b:s4+s11], $0x80, s8, s11, $0xb8;
	[tilespmem:$0x18C00] =	vst v63  }
0xbd: {  	_ =	swait.ge [sflag:s14], $0x2000  }
0xbe: {  	[sflag:s14] =	ssyncset.done $0x0  }
0xbf: {  	[sflag:s14] =	ssyncadd.s32 $0xFFFFE000  }
0xc0: {  	[spmem:s2] =	stream.indirect.scatter.add.f32 [tilespmem:s12], [sflag:$0x3], $0x80, s10, s11, $0xb8;
	[tilespmem:$0x18C00] =	vst v63  }
0xc1: {  	_ =	swait.ge [sflag:s9], $0x2000  }
0xc2: {  	[sflag:s9] =	ssyncset.done $0x0  }
0xc3: {  	s8 =	rddreg [dreg:$0x6];
	[sflag:s9] =	ssyncadd.s32 $0xFFFFE000  }
0xc4: {  	[tilespmem:s12], [sflag:$0x1] =	stream.indirect.gather [hbm4b:s4+s11], $0x80, s8, s11, $0xb8;
	[tilespmem:$0x18C00] =	vst v63  }
0xc5: {  	_ =	swait.ge [sflag:s15], $0x2000  }
0xc6: {  	[sflag:s15] =	ssyncset.done $0x0  }
0xc7: {  	s8 =	rddreg [dreg:$0x7];
	[sflag:s15] =	ssyncadd.s32 $0xFFFFE000  }
0xc8: {  	[spmem:s2] =	stream.indirect.scatter.add.f32 [tilespmem:s13], [sflag:$0x3], $0x80, s8, s11, $0xb8;
	[tilespmem:$0x18C00] =	vst v63  }
0xc9: {  	_ =	swait.ge [sflag:s9], $0x2000  }
0xca: {  	[sflag:s9] =	ssyncset.done $0x0  }
0xcb: {  	s8 =	rddreg [dreg:$0x8];
	[sflag:s9] =	ssyncadd.s32 $0xFFFFE000  }
0xcc: {  	[tilespmem:s13], [sflag:$0x2] =	stream.indirect.gather [hbm4b:s4+s11], $0x80, s8, s11, $0xb8;
	[tilespmem:$0x18C00] =	vst v63  }
0xcd: {  	_ =	swait.ge [sflag:s14], $0x2000  }
0xce: {  	[sflag:s14] =	ssyncset.done $0x0  }
0xcf: {  	s8 =	rddreg [dreg:$0x9];
	[sflag:s14] =	ssyncadd.s32 $0xFFFFE000  }
0xd0: {  	[spmem:s2] =	stream.indirect.scatter.add.f32 [tilespmem:s12], [sflag:$0x3], $0x80, s8, s11, $0xb8;
	[tilespmem:$0x18C00] =	vst v63  }
0xd1: {  	_ =	swait.ge [sflag:s9], $0x2000  }
0xd2: {  	[sflag:s9] =	ssyncset.done $0x0  }
0xd3: {  	s8 =	rddreg [dreg:$0xa];
	[sflag:s9] =	ssyncadd.s32 $0xFFFFE000  }
0xd4: {  	[tilespmem:s12], [sflag:$0x1] =	stream.indirect.gather [hbm4b:s4+s11], $0x80, s8, s11, $0xb8;
	[tilespmem:$0x18C00] =	vst v63  }
0xd5: {  	_ =	swait.ge [sflag:s15], $0x2000  }
0xd6: {  	[sflag:s15] =	ssyncset.done $0x0  }
0xd7: {  	s8 =	rddreg [dreg:$0xb];
	[sflag:s15] =	ssyncadd.s32 $0xFFFFE000  }
0xd8: {  	[spmem:s2] =	stream.indirect.scatter.add.f32 [tilespmem:s13], [sflag:$0x3], $0x80, s8, s11, $0xb8;
	[tilespmem:$0x18C00] =	vst v63  }
0xd9: {  	_ =	swait.ge [sflag:s9], $0x2000  }
0xda: {  	[sflag:s9] =	ssyncset.done $0x0  }
0xdb: {  	s8 =	rddreg [dreg:$0xc];
	[sflag:s9] =	ssyncadd.s32 $0xFFFFE000  }
0xdc: {  	[tilespmem:s13], [sflag:$0x2] =	stream.indirect.gather [hbm4b:s4+s11], $0x80, s8, s11, $0xb8;
	[tilespmem:$0x18C00] =	vst v63  }
0xdd: {  	_ =	swait.ge [sflag:s14], $0x2000  }
0xde: {  	[sflag:s14] =	ssyncset.done $0x0  }
0xdf: {  	s8 =	rddreg [dreg:$0xd];
	[sflag:s14] =	ssyncadd.s32 $0xFFFFE000  }
0xe0: {  	[spmem:s2] =	stream.indirect.scatter.add.f32 [tilespmem:s12], [sflag:$0x3], $0x80, s8, s11, $0xb8;
	[tilespmem:$0x18C00] =	vst v63  }
0xe1: {  	_ =	swait.ge [sflag:s9], $0x2000  }
0xe2: {  	[sflag:s9] =	ssyncset.done $0x0  }
0xe3: {  	s8 =	rddreg [dreg:$0xe];
	[sflag:s9] =	ssyncadd.s32 $0xFFFFE000  }
0xe4: {  	[tilespmem:s12], [sflag:$0x1] =	stream.indirect.gather [hbm4b:s4+s11], $0x80, s8, s11, $0xb8;
	[tilespmem:$0x18C00] =	vst v63  }
0xe5: {  	_ =	swait.ge [sflag:s15], $0x2000  }
0xe6: {  	[sflag:s15] =	ssyncset.done $0x0  }
0xe7: {  	s8 =	rddreg [dreg:$0xf];
	[sflag:s15] =	ssyncadd.s32 $0xFFFFE000  }
0xe8: {  	[spmem:s2] =	stream.indirect.scatter.add.f32 [tilespmem:s13], [sflag:$0x3], $0x80, s8, s11, $0xb8;
	[tilespmem:$0x18C00] =	vst v63  }
0xe9: {  	_ =	swait.ge [sflag:s9], $0x2000  }
0xea: {  	[sflag:s9] =	ssyncset.done $0x0  }
0xeb: {  	s8 =	rddreg [dreg:$0x10];
	[sflag:s9] =	ssyncadd.s32 $0xFFFFE000  }
0xec: {  	[tilespmem:s13], [sflag:$0x2] =	stream.indirect.gather [hbm4b:s4+s11], $0x80, s8, s11, $0xb8;
	[tilespmem:$0x18C00] =	vst v63  }
0xed: {  	_ =	swait.ge [sflag:s14], $0x2000  }
0xee: {  	[sflag:s14] =	ssyncset.done $0x0  }
0xef: {  	s8 =	rddreg [dreg:$0x11];
	[sflag:s14] =	ssyncadd.s32 $0xFFFFE000  }
0xf0: {  	[spmem:s2] =	stream.indirect.scatter.add.f32 [tilespmem:s12], [sflag:$0x3], $0x80, s8, s11, $0xb8;
	[tilespmem:$0x18C00] =	vst v63  }
0xf1: {  	_ =	swait.ge [sflag:s9], $0x2000  }
0xf2: {  	[sflag:s9] =	ssyncset.done $0x0  }
0xf3: {  	[sflag:s9] =	ssyncadd.s32 $0xFFFFE000  }
0xf4: {  	[tilespmem:s12], [sflag:$0x1] =	stream.indirect.gather [hbm4b:s4+s11], $0x80, s16, s11, $0xb8;
	[tilespmem:$0x18C00] =	vst v63  }
0xf5: {  	_ =	swait.ge [sflag:s15], $0x2000  }
0xf6: {  	[sflag:s15] =	ssyncset.done $0x0  }
0xf7: {  	[sflag:s15] =	ssyncadd.s32 $0xFFFFE000  }
0xf8: {  	[spmem:s2] =	stream.indirect.scatter.add.f32 [tilespmem:s13], [sflag:$0x3], $0x80, s17, s11, $0xb8;
	[tilespmem:$0x18C00] =	vst v63  }
0xf9: {  	_ =	swait.ge [sflag:s9], $0x2000  }
0xfa: {  	[sflag:s9] =	ssyncset.done $0x0  }
0xfb: {  	[sflag:s9] =	ssyncadd.s32 $0xFFFFE000  }
0xfc: {  	[tilespmem:s13], [sflag:$0x2] =	stream.indirect.gather [hbm4b:s4+s11], $0x80, s18, s11, $0xb8;
	[tilespmem:$0x18C00] =	vst v63  }
0xfd: {  	_ =	swait.ge [sflag:s14], $0x2000  }
0xfe: {  	[sflag:s14] =	ssyncset.done $0x0  }
0xff: {  	[sflag:s14] =	ssyncadd.s32 $0xFFFFE000  }
0x100: {  	[spmem:s2] =	stream.indirect.scatter.add.f32 [tilespmem:s12], [sflag:$0x3], $0x80, s19, s11, $0xb8;
	[tilespmem:$0x18C00] =	vst v63  }
0x101: {  	_ =	swait.ge [sflag:s9], $0x2000  }
0x102: {  	[sflag:s9] =	ssyncset.done $0x0  }
0x103: {  	[sflag:s9] =	ssyncadd.s32 $0xFFFFE000  }
0x104: {  	[tilespmem:s12], [sflag:$0x1] =	stream.indirect.gather [hbm4b:s4+s11], $0x80, s20, s11, $0xb8;
	[tilespmem:$0x18C00] =	vst v63  }
0x105: {  	_ =	swait.ge [sflag:s15], $0x2000  }
0x106: {  	[sflag:s15] =	ssyncset.done $0x0  }
0x107: {  	[sflag:s15] =	ssyncadd.s32 $0xFFFFE000  }
0x108: {  	[spmem:s2] =	stream.indirect.scatter.add.f32 [tilespmem:s13], [sflag:$0x3], $0x80, s21, s11, $0xb8;
	[tilespmem:$0x18C00] =	vst v63  }
0x109: {  	_ =	swait.ge [sflag:s9], $0x2000  }
0x10a: {  	[sflag:s9] =	ssyncset.done $0x0  }
0x10b: {  	[sflag:s9] =	ssyncadd.s32 $0xFFFFE000  }
0x10c: {  	[tilespmem:s13], [sflag:$0x2] =	stream.indirect.gather [hbm4b:s4+s11], $0x80, s22, s11, $0xb8;
	[tilespmem:$0x18C00] =	vst v63  }
0x10d: {  	_ =	swait.ge [sflag:s14], $0x2000  }
0x10e: {  	[sflag:s14] =	ssyncset.done $0x0  }
0x10f: {  	[sflag:s14] =	ssyncadd.s32 $0xFFFFE000  }
0x110: {  	[spmem:s2] =	stream.indirect.scatter.add.f32 [tilespmem:s12], [sflag:$0x3], $0x80, s23, s11, $0xb8;
	[tilespmem:$0x18C00] =	vst v63  }
0x111: {  	_ =	swait.ge [sflag:s9], $0x2000  }
0x112: {  	[sflag:s9] =	ssyncset.done $0x0  }
0x113: {  	[sflag:s9] =	ssyncadd.s32 $0xFFFFE000  }
0x114: {  	[tilespmem:s12], [sflag:$0x1] =	stream.indirect.gather [hbm4b:s4+s11], $0x80, s25, s11, $0xb8;
	[tilespmem:$0x18C00] =	vst v63  }
0x115: {  	_ =	swait.ge [sflag:s15], $0x2000  }
0x116: {  	[sflag:s15] =	ssyncset.done $0x0  }
0x117: {  	[sflag:s15] =	ssyncadd.s32 $0xFFFFE000  }
0x118: {  	[spmem:s2] =	stream.indirect.scatter.add.f32 [tilespmem:s13], [sflag:$0x3], $0x80, s26, s11, $0xb8;
	[tilespmem:$0x18C00] =	vst v63  }
0x119: {  	_ =	swait.ge [sflag:s9], $0x2000  }
0x11a: {  	[sflag:s9] =	ssyncset.done $0x0  }
0x11b: {  	[sflag:s9] =	ssyncadd.s32 $0xFFFFE000  }
0x11c: {  	[tilespmem:s13], [sflag:$0x2] =	stream.indirect.gather [hbm4b:s4+s11], $0x80, s28, s11, $0xb8;
	[tilespmem:$0x18C00] =	vst v63  }
0x11d: {  	_ =	swait.ge [sflag:s14], $0x2000  }
0x11e: {  	[sflag:s14] =	ssyncset.done $0x0  }
0x11f: {  	[sflag:s14] =	ssyncadd.s32 $0xFFFFE000  }
0x120: {  	[spmem:s2] =	stream.indirect.scatter.add.f32 [tilespmem:s12], [sflag:$0x3], $0x80, s29, s11, $0xb8;
	[tilespmem:$0x18C00] =	vst v63  }
0x121: {  	_ =	swait.ge [sflag:s9], $0x2000  }
0x122: {  	[sflag:s9] =	ssyncset.done $0x0  }
0x123: {  	[sflag:s9] =	ssyncadd.s32 $0xFFFFE000  }
0x124: {  	[tilespmem:s12], [sflag:$0x1] =	stream.indirect.gather [hbm4b:s4+s11], $0x80, s30, s11, $0xb8;
	[tilespmem:$0x18C00] =	vst v63  }
0x125: {  	_ =	swait.ge [sflag:s15], $0x2000  }
0x126: {  	[sflag:s15] =	ssyncset.done $0x0  }
0x127: {  	[sflag:s15] =	ssyncadd.s32 $0xFFFFE000  }
0x128: {  	[spmem:s2] =	stream.indirect.scatter.add.f32 [tilespmem:s13], [sflag:$0x3], $0x80, s31, s11, $0xb8;
	[tilespmem:$0x18C00] =	vst v63  }
0x129: {  	_ =	swait.ge [sflag:s9], $0x2000  }
0x12a: {  	[sflag:s9] =	ssyncset.done $0x0  }
0x12b: {  	[sflag:s9] =	ssyncadd.s32 $0xFFFFE000  }
0x12c: {  	[tilespmem:s13], [sflag:$0x2] =	stream.indirect.gather [hbm4b:s4+s11], $0x80, s0, s11, $0xb8;
	[tilespmem:$0x18C00] =	vst v63  }
0x12d: {  	_ =	swait.ge [sflag:s14], $0x2000  }
0x12e: {  	[sflag:s14] =	ssyncset.done $0x0  }
0x12f: {  	[sflag:s14] =	ssyncadd.s32 $0xFFFFE000  }
0x130: {  	[spmem:s2] =	stream.indirect.scatter.add.f32 [tilespmem:s12], [sflag:$0x3], $0x80, s1, s11, $0xb8;
	[tilespmem:$0x18C00] =	vst v63  }
0x131: {  	_ =	swait.ge [sflag:s9], $0x2000  }
0x132: {  	[sflag:s9] =	ssyncset.done $0x0  }
0x133: {  	[sflag:s9] =	ssyncadd.s32 $0xFFFFE000  }
0x134: {  	p0 =	sne.s32 s6, $0x900;
	_ =	swait.ge [sflag:s15], $0x2000  }
.Ltmp0:
0x135: {  	[sflag:s15] =	ssyncset.done $0x0;
	(pc) =	sbr.rel @p0 .LBB2_2-.Ltmp0, $4  }
0x136: {  	[sflag:s15] =	ssyncadd.s32 $0xFFFFE000  }
0x137: {  	[spmem:s2] =	stream.indirect.scatter.add.f32 [tilespmem:s13], [sflag:$0x3], $0x80, s5, s11, $0xb8;
	[tilespmem:$0x18C00] =	vst v63  }
0x138: {  	s7 =	smov.u32 s6;
	s6 =	sadd.s32 $0x100, s6;
	_ =	swait.ge [sflag:s9], $0x2000  }
0x139: {  	s24 =	smov.u32 s7;
	s8 =	rddreg [dreg:$0x3];
	[sflag:s9] =	ssyncset.done $0x0  }
0x13a: {  	[sflag:s9] =	ssyncadd.s32 $0xFFFFE000;
	s6 =	sadd.s32 s24, s8  }
0x13b: {  	[tilespmem:s3], [sflag:$0x3] =	stream.linear.gather [hbm4b:s6+s3], $0x800, $0x38;
	[tilespmem:$0x18C00] =	vst v63  }
0x13c: {  	_ =	swait.ge [sflag:s9], $0x800  }
0x13d: {  	s7 =	rddreg [dreg:$0x4];
	[sflag:s9] =	ssyncset.done $0x0  }
0x13e: {  	s6 =	sadd.s32 s24, s7;
	[sflag:s9] =	ssyncadd.s32 $0xFFFFF800  }
0x13f: {  	[tilespmem:s10], [sflag:$0x3] =	stream.linear.gather [hbm4b:s6+s3], $0x800, $0x38;
	[tilespmem:$0x18C00] =	vst v63  }
0x140: {  	_ =	swait.ge [sflag:s9], $0x800  }
0x141: {  	[sflag:s9] =	ssyncset.done $0x0  }
0x142: {  	[sflag:s9] =	ssyncadd.s32 $0xFFFFF800  }
0x143: {  	[tilespmem:s12], [sflag:$0x1] =	stream.indirect.gather [hbm4b:s4+s11], $0x80, s3, s11, $0xb8;
	[tilespmem:$0x18C00] =	vst v63  }
0x144: {  	s8 =	rddreg [dreg:$0x5]  }
0x145: {  	[tilespmem:s13], [sflag:$0x2] =	stream.indirect.gather [hbm4b:s4+s11], $0x80, s8, s11, $0xb8;
	[tilespmem:$0x18C00] =	vst v63  }
0x146: {  	_ =	swait.ge [sflag:s14], $0x2000  }
0x147: {  	[sflag:s14] =	ssyncset.done $0x0  }
0x148: {  	[sflag:s14] =	ssyncadd.s32 $0xFFFFE000  }
0x149: {  	[spmem:s2] =	stream.indirect.scatter.add.f32 [tilespmem:s12], [sflag:$0x3], $0x80, s10, s11, $0xb8;
	[tilespmem:$0x18C00] =	vst v63  }
0x14a: {  	_ =	swait.ge [sflag:s9], $0x2000  }
0x14b: {  	[sflag:s9] =	ssyncset.done $0x0  }
0x14c: {  	s24 =	rddreg [dreg:$0x6];
	[sflag:s9] =	ssyncadd.s32 $0xFFFFE000  }
0x14d: {  	[tilespmem:s12], [sflag:$0x1] =	stream.indirect.gather [hbm4b:s4+s11], $0x80, s24, s11, $0xb8;
	[tilespmem:$0x18C00] =	vst v63  }
0x14e: {  	_ =	swait.ge [sflag:s15], $0x2000  }
0x14f: {  	[sflag:s15] =	ssyncset.done $0x0  }
0x150: {  	s7 =	rddreg [dreg:$0x7];
	[sflag:s15] =	ssyncadd.s32 $0xFFFFE000  }
0x151: {  	[spmem:s2] =	stream.indirect.scatter.add.f32 [tilespmem:s13], [sflag:$0x3], $0x80, s7, s11, $0xb8;
	[tilespmem:$0x18C00] =	vst v63  }
0x152: {  	_ =	swait.ge [sflag:s9], $0x2000  }
0x153: {  	[sflag:s9] =	ssyncset.done $0x0  }
0x154: {  	s8 =	rddreg [dreg:$0x8];
	[sflag:s9] =	ssyncadd.s32 $0xFFFFE000  }
0x155: {  	[tilespmem:s13], [sflag:$0x2] =	stream.indirect.gather [hbm4b:s4+s11], $0x80, s8, s11, $0xb8;
	[tilespmem:$0x18C00] =	vst v63  }
0x156: {  	_ =	swait.ge [sflag:s14], $0x2000  }
0x157: {  	[sflag:s14] =	ssyncset.done $0x0  }
0x158: {  	s24 =	rddreg [dreg:$0x9];
	[sflag:s14] =	ssyncadd.s32 $0xFFFFE000  }
0x159: {  	[spmem:s2] =	stream.indirect.scatter.add.f32 [tilespmem:s12], [sflag:$0x3], $0x80, s24, s11, $0xb8;
	[tilespmem:$0x18C00] =	vst v63  }
0x15a: {  	_ =	swait.ge [sflag:s9], $0x2000  }
0x15b: {  	[sflag:s9] =	ssyncset.done $0x0  }
0x15c: {  	s7 =	rddreg [dreg:$0xa];
	[sflag:s9] =	ssyncadd.s32 $0xFFFFE000  }
0x15d: {  	[tilespmem:s12], [sflag:$0x1] =	stream.indirect.gather [hbm4b:s4+s11], $0x80, s7, s11, $0xb8;
	[tilespmem:$0x18C00] =	vst v63  }
0x15e: {  	_ =	swait.ge [sflag:s15], $0x2000  }
0x15f: {  	[sflag:s15] =	ssyncset.done $0x0  }
0x160: {  	s8 =	rddreg [dreg:$0xb];
	[sflag:s15] =	ssyncadd.s32 $0xFFFFE000  }
0x161: {  	[spmem:s2] =	stream.indirect.scatter.add.f32 [tilespmem:s13], [sflag:$0x3], $0x80, s8, s11, $0xb8;
	[tilespmem:$0x18C00] =	vst v63  }
0x162: {  	_ =	swait.ge [sflag:s9], $0x2000  }
0x163: {  	[sflag:s9] =	ssyncset.done $0x0  }
0x164: {  	s24 =	rddreg [dreg:$0xc];
	[sflag:s9] =	ssyncadd.s32 $0xFFFFE000  }
0x165: {  	[tilespmem:s13], [sflag:$0x2] =	stream.indirect.gather [hbm4b:s4+s11], $0x80, s24, s11, $0xb8;
	[tilespmem:$0x18C00] =	vst v63  }
0x166: {  	_ =	swait.ge [sflag:s14], $0x2000  }
0x167: {  	[sflag:s14] =	ssyncset.done $0x0  }
0x168: {  	s7 =	rddreg [dreg:$0xd];
	[sflag:s14] =	ssyncadd.s32 $0xFFFFE000  }
0x169: {  	[spmem:s2] =	stream.indirect.scatter.add.f32 [tilespmem:s12], [sflag:$0x3], $0x80, s7, s11, $0xb8;
	[tilespmem:$0x18C00] =	vst v63  }
0x16a: {  	_ =	swait.ge [sflag:s9], $0x2000  }
0x16b: {  	[sflag:s9] =	ssyncset.done $0x0  }
0x16c: {  	s8 =	rddreg [dreg:$0xe];
	[sflag:s9] =	ssyncadd.s32 $0xFFFFE000  }
0x16d: {  	[tilespmem:s12], [sflag:$0x1] =	stream.indirect.gather [hbm4b:s4+s11], $0x80, s8, s11, $0xb8;
	[tilespmem:$0x18C00] =	vst v63  }
0x16e: {  	_ =	swait.ge [sflag:s15], $0x2000  }
0x16f: {  	[sflag:s15] =	ssyncset.done $0x0  }
0x170: {  	s24 =	rddreg [dreg:$0xf];
	[sflag:s15] =	ssyncadd.s32 $0xFFFFE000  }
0x171: {  	[spmem:s2] =	stream.indirect.scatter.add.f32 [tilespmem:s13], [sflag:$0x3], $0x80, s24, s11, $0xb8;
	[tilespmem:$0x18C00] =	vst v63  }
0x172: {  	_ =	swait.ge [sflag:s9], $0x2000  }
0x173: {  	[sflag:s9] =	ssyncset.done $0x0  }
0x174: {  	s7 =	rddreg [dreg:$0x10];
	[sflag:s9] =	ssyncadd.s32 $0xFFFFE000  }
0x175: {  	[tilespmem:s13], [sflag:$0x2] =	stream.indirect.gather [hbm4b:s4+s11], $0x80, s7, s11, $0xb8;
	[tilespmem:$0x18C00] =	vst v63  }
0x176: {  	_ =	swait.ge [sflag:s14], $0x2000  }
0x177: {  	[sflag:s14] =	ssyncset.done $0x0  }
0x178: {  	s8 =	rddreg [dreg:$0x11];
	[sflag:s14] =	ssyncadd.s32 $0xFFFFE000  }
0x179: {  	[spmem:s2] =	stream.indirect.scatter.add.f32 [tilespmem:s12], [sflag:$0x3], $0x80, s8, s11, $0xb8;
	[tilespmem:$0x18C00] =	vst v63  }
0x17a: {  	_ =	swait.ge [sflag:s9], $0x2000  }
0x17b: {  	[sflag:s9] =	ssyncset.done $0x0  }
0x17c: {  	[sflag:s9] =	ssyncadd.s32 $0xFFFFE000  }
0x17d: {  	[tilespmem:s12], [sflag:$0x1] =	stream.indirect.gather [hbm4b:s4+s11], $0x80, s16, s11, $0xb8;
	[tilespmem:$0x18C00] =	vst v63  }
0x17e: {  	_ =	swait.ge [sflag:s15], $0x2000  }
0x17f: {  	[sflag:s15] =	ssyncset.done $0x0  }
0x180: {  	[sflag:s15] =	ssyncadd.s32 $0xFFFFE000  }
0x181: {  	[spmem:s2] =	stream.indirect.scatter.add.f32 [tilespmem:s13], [sflag:$0x3], $0x80, s17, s11, $0xb8;
	[tilespmem:$0x18C00] =	vst v63  }
0x182: {  	_ =	swait.ge [sflag:s9], $0x2000  }
0x183: {  	[sflag:s9] =	ssyncset.done $0x0  }
0x184: {  	[sflag:s9] =	ssyncadd.s32 $0xFFFFE000  }
0x185: {  	[tilespmem:s13], [sflag:$0x2] =	stream.indirect.gather [hbm4b:s4+s11], $0x80, s18, s11, $0xb8;
	[tilespmem:$0x18C00] =	vst v63  }
0x186: {  	_ =	swait.ge [sflag:s14], $0x2000  }
0x187: {  	[sflag:s14] =	ssyncset.done $0x0  }
0x188: {  	[sflag:s14] =	ssyncadd.s32 $0xFFFFE000  }
0x189: {  	[spmem:s2] =	stream.indirect.scatter.add.f32 [tilespmem:s12], [sflag:$0x3], $0x80, s19, s11, $0xb8;
	[tilespmem:$0x18C00] =	vst v63  }
0x18a: {  	_ =	swait.ge [sflag:s9], $0x2000  }
0x18b: {  	[sflag:s9] =	ssyncset.done $0x0  }
0x18c: {  	[sflag:s9] =	ssyncadd.s32 $0xFFFFE000  }
0x18d: {  	[tilespmem:s12], [sflag:$0x1] =	stream.indirect.gather [hbm4b:s4+s11], $0x80, s20, s11, $0xb8;
	[tilespmem:$0x18C00] =	vst v63  }
0x18e: {  	_ =	swait.ge [sflag:s15], $0x2000  }
0x18f: {  	[sflag:s15] =	ssyncset.done $0x0  }
0x190: {  	[sflag:s15] =	ssyncadd.s32 $0xFFFFE000  }
0x191: {  	[spmem:s2] =	stream.indirect.scatter.add.f32 [tilespmem:s13], [sflag:$0x3], $0x80, s21, s11, $0xb8;
	[tilespmem:$0x18C00] =	vst v63  }
0x192: {  	_ =	swait.ge [sflag:s9], $0x2000  }
0x193: {  	[sflag:s9] =	ssyncset.done $0x0  }
0x194: {  	[sflag:s9] =	ssyncadd.s32 $0xFFFFE000  }
0x195: {  	[tilespmem:s13], [sflag:$0x2] =	stream.indirect.gather [hbm4b:s4+s11], $0x80, s22, s11, $0xb8;
	[tilespmem:$0x18C00] =	vst v63  }
0x196: {  	_ =	swait.ge [sflag:s14], $0x2000  }
0x197: {  	[sflag:s14] =	ssyncset.done $0x0  }
0x198: {  	[sflag:s14] =	ssyncadd.s32 $0xFFFFE000  }
0x199: {  	[spmem:s2] =	stream.indirect.scatter.add.f32 [tilespmem:s12], [sflag:$0x3], $0x80, s23, s11, $0xb8;
	[tilespmem:$0x18C00] =	vst v63  }
0x19a: {  	_ =	swait.ge [sflag:s9], $0x2000  }
0x19b: {  	[sflag:s9] =	ssyncset.done $0x0  }
0x19c: {  	[sflag:s9] =	ssyncadd.s32 $0xFFFFE000  }
0x19d: {  	[tilespmem:s12], [sflag:$0x1] =	stream.indirect.gather [hbm4b:s4+s11], $0x80, s25, s11, $0xb8;
	[tilespmem:$0x18C00] =	vst v63  }
0x19e: {  	_ =	swait.ge [sflag:s15], $0x2000  }
0x19f: {  	[sflag:s15] =	ssyncset.done $0x0  }
0x1a0: {  	[sflag:s15] =	ssyncadd.s32 $0xFFFFE000  }
0x1a1: {  	[spmem:s2] =	stream.indirect.scatter.add.f32 [tilespmem:s13], [sflag:$0x3], $0x80, s26, s11, $0xb8;
	[tilespmem:$0x18C00] =	vst v63  }
0x1a2: {  	_ =	swait.ge [sflag:s9], $0x2000  }
0x1a3: {  	[sflag:s9] =	ssyncset.done $0x0  }
0x1a4: {  	[sflag:s9] =	ssyncadd.s32 $0xFFFFE000  }
0x1a5: {  	[tilespmem:s13], [sflag:$0x2] =	stream.indirect.gather [hbm4b:s4+s11], $0x80, s28, s11, $0xb8;
	[tilespmem:$0x18C00] =	vst v63  }
0x1a6: {  	_ =	swait.ge [sflag:s14], $0x2000  }
0x1a7: {  	[sflag:s14] =	ssyncset.done $0x0  }
0x1a8: {  	[sflag:s14] =	ssyncadd.s32 $0xFFFFE000  }
0x1a9: {  	[spmem:s2] =	stream.indirect.scatter.add.f32 [tilespmem:s12], [sflag:$0x3], $0x80, s29, s11, $0xb8;
	[tilespmem:$0x18C00] =	vst v63  }
0x1aa: {  	_ =	swait.ge [sflag:s9], $0x2000  }
0x1ab: {  	[sflag:s9] =	ssyncset.done $0x0  }
0x1ac: {  	[sflag:s9] =	ssyncadd.s32 $0xFFFFE000  }
0x1ad: {  	[tilespmem:s12], [sflag:$0x1] =	stream.indirect.gather [hbm4b:s4+s11], $0x80, s30, s11, $0xb8;
	[tilespmem:$0x18C00] =	vst v63  }
0x1ae: {  	_ =	swait.ge [sflag:s15], $0x2000  }
0x1af: {  	[sflag:s15] =	ssyncset.done $0x0  }
0x1b0: {  	[sflag:s15] =	ssyncadd.s32 $0xFFFFE000  }
0x1b1: {  	[spmem:s2] =	stream.indirect.scatter.add.f32 [tilespmem:s13], [sflag:$0x3], $0x80, s31, s11, $0xb8;
	[tilespmem:$0x18C00] =	vst v63  }
0x1b2: {  	_ =	swait.ge [sflag:s9], $0x2000  }
0x1b3: {  	[sflag:s9] =	ssyncset.done $0x0  }
0x1b4: {  	[sflag:s9] =	ssyncadd.s32 $0xFFFFE000  }
0x1b5: {  	[tilespmem:s13], [sflag:$0x2] =	stream.indirect.gather [hbm4b:s4+s11], $0x80, s0, s11, $0xb8;
	[tilespmem:$0x18C00] =	vst v63  }
0x1b6: {  	_ =	swait.ge [sflag:s14], $0x2000  }
0x1b7: {  	[sflag:s14] =	ssyncset.done $0x0  }
0x1b8: {  	[sflag:s14] =	ssyncadd.s32 $0xFFFFE000  }
0x1b9: {  	[spmem:s2] =	stream.indirect.scatter.add.f32 [tilespmem:s12], [sflag:$0x3], $0x80, s1, s11, $0xb8;
	[tilespmem:$0x18C00] =	vst v63  }
0x1ba: {  	_ =	swait.ge [sflag:s9], $0x2000  }
0x1bb: {  	[sflag:s9] =	ssyncset.done $0x0  }
0x1bc: {  	[sflag:s9] =	ssyncadd.s32 $0xFFFFE000  }
0x1bd: {  	_ =	swait.ge [sflag:s15], $0x2000  }
0x1be: {  	[sflag:s15] =	ssyncset.done $0x0  }
0x1bf: {  	[sflag:s15] =	ssyncadd.s32 $0xFFFFE000  }
0x1c0: {  	[spmem:s2] =	stream.indirect.scatter.add.f32 [tilespmem:s13], [sflag:$0x3], $0x80, s5, s11, $0xb8;
	[tilespmem:$0x18C00] =	vst v63  }
0x1c1: {  	_ =	swait.ge [sflag:s9], $0x2000  }
0x1c2: {  	[sflag:s9] =	ssyncset.done $0x0  }
0x1c3: {  	[sflag:s9] =	ssyncadd.s32 $0xFFFFE000  }
0x1c4: {  	[bflag:$0x0] =	sbarrier.arrive $0xFFFF  }
0x1c5: {  	s8 =	rddreg [dreg:$0x13]  }
0x1c6: {  	s7 =	rddreg [dreg:$0x15]  }
0x1c7: {  	s24 =	rddreg [dreg:$0x16]  }
0x1c8: {  	[hbm:s24], [sflag:s8] =	dma.local [spmem:s7], $0x2780  }
0x1c9: {  	_ =	swait.ge [sflag:s9], $0x2780  }
0x1ca: {  	s6 =	rddreg [dreg:$0x17]  }
0x1cb: {  	s24 =	sadd.s32 $0x1, s6;
	s6 =	rddreg [dreg:$0x14]  }
0x1cc: {  	p0 =	sne.s32 s24, s6  }
.Ltmp1:
0x1cd: {  	_ = 	snop;
	(pc) =	sbr.rel @p0 .LBB2_1-.Ltmp1, $3  }
0x1ce: {  	_ =	sdelay $0x1  }
0x1cf: {  	[sflag:s9] =	ssyncset.done $0x0  }
0x1d0: {  	[sflag:s9] =	ssyncadd.s32 $0xFFFFD880  }
0x1d1: {  	_ =	sfence.sel $0x180000  }
0x1d2: {  	[bflag:$0x0] =	sbarrier.arrive $0xFFFF  }
0x1d3: {  	_ =	strace $0x9000004A  }
0x1d4: {  	s0 =	stileid.u32;
	[bflag:$0x2] =	sbarrier.arrive $0xFFFF  }
0x1d5: {  	p0 =	sne.s32 s0, $0x0;
	s0 =	rddreg [dreg:$0x2]  }
0x1d6: {  	s0 =	sadd.s32 @!p0 $0x100000, s0  }
0x1d7: {  	[sflag:s0] =	ssyncadd.tile.s32 @!p0 $0x1;
	_ =	shalt  }
.Lfunc_end2:
_tile_overlayer_lowered:
.L_overlay_start_2:
0x1d8: {  	(tag) =	ssettag $0x2  }
0x1d9: {  	s0 =	rddreg [dreg:$0x0];
	s2 =	stileid.u32  }
0x1da: {  	s1 =	rddreg [dreg:$0x1];
	p0 =	sne.s32 s2, $0x0  }
0x1db: {  	s3 =	rddreg [dreg:$0x2];
	[bflag:$0x3] =	sbarrier.arrive $0xFFFF;
	s2 =	simm.s32 @!p0 $0x1C03  }
0x1dc: {  	[timem:s3], [sflag:s2] =	dma.local @!p0 [hbm:s0], s1  }
0x1dd: {  	s0 =	simm.s32 @!p0 $0x3  }
0x1de: {  	_ =	swait.ge @!p0 [sflag:s0], s1  }
0x1df: {  	s1 =	ssub.s32 @!p0 $0x0, s1;
	[sflag:s0] =	ssyncset.done @!p0 $0x0  }
0x1e0: {  	[sflag:s0] =	ssyncadd.s32 @!p0 s1  }
0x1e1: {  	[bflag:$0x3] =	sbarrier.arrive $0xFFFF  }
0x1e2: {  	_ =	shalt  }

// kernel: kernel.14.cloned.1.call-start
scs
__scs_entry_jumppad:
0x0: {  	(pc) =	sbr.rel $0x88, $3  }
0x1: {  	(tag) =	ssettag $0x0;
	lr =	simm.s32 $0x1  }
0x2: {  	[smem:$0x3F99] =	sst lr;
	_ =	strace $0xD0000000  }
0x3: {  	_ = 	snop  }
0x4: {  	_ = 	snop  }
0x5: {  	_ = 	snop  }
0x6: {  	_ = 	snop  }
0x7: {  	_ = 	snop  }
__scs_overlays_trampoline_lowered:
0x8: {  	[smem:$0x3FA8] =	sst s0  }
0x9: {  	[smem:$0x3FA9] =	sst s1  }
0xa: {  	[smem:$0x3FAA] =	sst s2  }
0xb: {  	[smem:$0x3FAB] =	sst s3  }
0xc: {  	[smem:$0x3FAC] =	sst s4  }
0xd: {  	[smem:$0x3FAD] =	sst s5  }
0xe: {  	[smem:$0x3FAE] =	sst s6  }
0xf: {  	[smem:$0x3FAF] =	sst s7  }
0x10: {  	[smem:$0x3FB0] =	sst s8  }
0x11: {  	[smem:$0x3FB1] =	sst s9;
	s0 =	simm.s32 @!p0 $0x0  }
0x12: {  	s1 =	sld [smem:$0x3F97];
	s0 =	simm.s32 @p0 $0x1  }
0x13: {  	[smem:$0x3FB2] =	sst s0;
	s0 =	simm.s32 @!p1 $0x0  }
0x14: {  	s2 =	sld [smem:$0x3F96];
	s0 =	simm.s32 @p1 $0x1  }
0x15: {  	[smem:$0x3FB3] =	sst s0;
	s0 =	simm.s32 @!p2 $0x0  }
0x16: {  	s3 =	sld [smem:$0x3FDB];
	s0 =	simm.s32 @p2 $0x1  }
0x17: {  	s4 =	simm.s32 $0x1BF5;
	[smem:$0x3FB5] =	sst s0  }
0x18: {  	s0 =	sld [smem:$0x3F98];
	_ =	swait.ge [sflag:s4], $0x0  }
0x19: {  	s7 =	sld [smem:$0x3F99]  }
0x1a: {  	s8 =	sadd.s32 $0xFFFFE003, lr  }
0x1b: {  	s9 =	sadd.s32 $0xFFFFFEF7, lr;
	s5 =	simm.s32 $0xFFFFFFFF;
	p2 =	slt.u32 s8, $0xFFFFF086  }
0x1c: {  	p1 =	slt.u32 s9, $0xF7A;
	s5 =	simm.s32 @!p2 $0x0  }
0x1d: {  	s5 =	simm.s32 @p1 $0x1;
	p0 =	seq.s32 s7, s2  }
0x1e: {  	s7 =	smul.u32 @!p0 $0xF7A, s2;
	p2 =	seq.s32 @!p0 s5, $0x0  }
0x1f: {  	s9 =	smul.u32 $0xF7A, s1;
	s8 =	simm.s32 @!p0 $0x1BF5;
	p2 =	por !p2, p0  }
0x20: {  	[sflag:s8] =	ssyncset.s32 @!p0 $0xFFFFF086;
	s6 =	sadd.s32 @!p0 s3, s7;
	s7 =	simm.s32 @!p0 $0x108  }
0x21: {  	s3 =	sadd.s32 s3, s9;
	s6 =	sadd.s32 @!p0 $0x88, s6;
	s7 =	simm.s32 @p2 $0x1082  }
0x22: {  	[simem:s7], [sflag:s8] =	dma.local @!p0 [hbm:s6], $0xF7A  }
0x23: {  	s9 =	sor.u32 $0xD0000000, s2;
	s6 =	simm.s32 $0x108;
	_ =	swait.ge @!p0 [sflag:s8], $0x0  }
0x24: {  	s3 =	sadd.s32 $0x88, s3;
	s6 =	simm.s32 @!p1 $0x1082;
	[sflag:s4] =	ssyncset.s32 $0xFFFFF086  }
0x25: {  	[simem:s6], [sflag:s4] =	dma.local [hbm:s3], $0xF7A  }
0x26: {  	[smem:$0x3F99] =	sst s1;
	(tag) =	ssettag s2;
	_ =	strace s9  }
0x27: {  	s1 =	sld [smem:$0x3FA9]  }
0x28: {  	s2 =	sld [smem:$0x3FAA]  }
0x29: {  	s4 =	sld [smem:$0x3FAC]  }
0x2a: {  	p0 =	seq.s32 s5, $0x0;
	s5 =	sld [smem:$0x3FAD]  }
0x2b: {  	s6 =	sld [smem:$0x3FAE]  }
0x2c: {  	s7 =	sld [smem:$0x3FAF]  }
0x2d: {  	s3 =	simm.s32 $0x108;
	s8 =	sld [smem:$0x3FB0]  }
0x2e: {  	s3 =	simm.s32 @!p0 $0x1082;
	s9 =	sld [smem:$0x3FB1]  }
0x2f: {  	lr =	sadd.s32 s0, s3;
	s0 =	sld [smem:$0x3FA8]  }
0x30: {  	s3 =	sld [smem:$0x3FAB]  }
0x31: {  	[smem:$0x3FB4] =	sst s10  }
0x32: {  	s10 =	sld [smem:$0x3FB2];
	_ =	sdelay $0x3  }
0x33: {  	p0 =	seq.s32 s10, $0x1;
	s10 =	sld [smem:$0x3FB4];
	_ =	sdelay $0x3  }
0x34: {  	[smem:$0x3FB4] =	sst s10  }
0x35: {  	s10 =	sld [smem:$0x3FB3];
	_ =	sdelay $0x3  }
0x36: {  	p1 =	seq.s32 s10, $0x1;
	s10 =	sld [smem:$0x3FB4];
	_ =	sdelay $0x3  }
0x37: {  	[smem:$0x3FB4] =	sst s10  }
0x38: {  	s10 =	sld [smem:$0x3FB5]  }
0x39: {  	_ = 	snop;
	(pc) =	sbr.ind lr, $3  }
0x3a: {  	_ = 	snop  }
0x3b: {  	_ = 	snop  }
0x3c: {  	p2 =	seq.s32 s10, $0x1;
	s10 =	sld [smem:$0x3FB4]  }
0x3d: {  	_ =	shalt  }
0x3e: {  	_ =	shalt  }
0x3f: {  	_ =	shalt  }
0x40: {  	_ =	shalt  }
0x41: {  	_ =	shalt  }
0x42: {  	_ =	shalt  }
0x43: {  	_ =	shalt  }
0x44: {  	_ =	shalt  }
0x45: {  	_ =	shalt  }
0x46: {  	_ =	shalt  }
0x47: {  	_ =	shalt  }
0x48: {  	_ =	shalt  }
0x49: {  	_ =	shalt  }
0x4a: {  	_ =	shalt  }
0x4b: {  	_ =	shalt  }
0x4c: {  	_ =	shalt  }
0x4d: {  	_ =	shalt  }
0x4e: {  	_ =	shalt  }
0x4f: {  	_ =	shalt  }
0x50: {  	_ =	shalt  }
0x51: {  	_ =	shalt  }
0x52: {  	_ =	shalt  }
0x53: {  	_ =	shalt  }
0x54: {  	_ =	shalt  }
0x55: {  	_ =	shalt  }
0x56: {  	_ =	shalt  }
0x57: {  	_ =	shalt  }
0x58: {  	_ =	shalt  }
0x59: {  	_ =	shalt  }
0x5a: {  	_ =	shalt  }
0x5b: {  	_ =	shalt  }
0x5c: {  	_ =	shalt  }
0x5d: {  	_ =	shalt  }
0x5e: {  	_ =	shalt  }
0x5f: {  	_ =	shalt  }
0x60: {  	_ =	shalt  }
0x61: {  	_ =	shalt  }
0x62: {  	_ =	shalt  }
0x63: {  	_ =	shalt  }
0x64: {  	_ =	shalt  }
0x65: {  	_ =	shalt  }
0x66: {  	_ =	shalt  }
0x67: {  	_ =	shalt  }
0x68: {  	_ =	shalt  }
0x69: {  	_ =	shalt  }
0x6a: {  	_ =	shalt  }
0x6b: {  	_ =	shalt  }
0x6c: {  	_ =	shalt  }
0x6d: {  	_ =	shalt  }
0x6e: {  	_ =	shalt  }
0x6f: {  	_ =	shalt  }
0x70: {  	_ =	shalt  }
0x71: {  	_ =	shalt  }
0x72: {  	_ =	shalt  }
0x73: {  	_ =	shalt  }
0x74: {  	_ =	shalt  }
0x75: {  	_ =	shalt  }
0x76: {  	_ =	shalt  }
0x77: {  	_ =	shalt  }
0x78: {  	_ =	shalt  }
0x79: {  	_ =	shalt  }
0x7a: {  	_ =	shalt  }
0x7b: {  	_ =	shalt  }
0x7c: {  	_ =	shalt  }
0x7d: {  	_ =	shalt  }
0x7e: {  	_ =	shalt  }
0x7f: {  	_ =	shalt  }
0x80: {  	_ =	shalt  }
0x81: {  	_ =	shalt  }
0x82: {  	_ =	shalt  }
0x83: {  	_ =	shalt  }
0x84: {  	_ =	shalt  }
0x85: {  	_ =	shalt  }
0x86: {  	_ =	shalt  }
0x87: {  	_ =	shalt  }
.Lfunc_end0:
.L_simem_size_0:
called_computation.2_lowered:
.L_overlay_start_0:
0x88: {  	s2 =	sld [smem:$0x3FD9]  }
0x89: {  	s3 =	sld [smem:$0x3FFE];
	_ =	sdelay $0x1  }
0x8a: {  	s1 =	srdreg.scid  }
0x8b: {  	s0 =	sand.u32 $0x1, s1  }
0x8c: {  	s16 =	sshll.u32 s0, $0xA;
	s2 =	sadd.s32 s3, s2  }
0x8d: {  	s2 =	sadd.s32 s2, s16  }
0x8e: {  	[smem:$0x3FC0] =	sst s2  }
0x8f: {  	_ = 	snop  }
0x90: {  	(tm) =	ssettm $0x1  }
0x91: {  	s17 =	sld [smem:$0x3FFB];
	_ =	sdelay $0x3  }
0x92: {  	_ =	strace s17  }
0x93: {  	s2 =	sld [smem:$0x3FFC];
	_ =	sdelay $0x3  }
0x94: {  	_ =	strace s2  }
0x95: {  	s2 =	sld [smem:$0x3FFD];
	_ =	sdelay $0x3  }
0x96: {  	_ =	strace s2  }
0x97: {  	_ =	strace $0x8FFFFFFF  }
0x98: {  	s18 =	sld [smem:$0x3FDB];
	_ =	sdelay $0x1  }
0x99: {  	s19 =	simm.s32 $_scs_section_size  }
0x9a: {  	s4 =	simm.s32 $_size__tile_overlayer_lowered;
	s5 =	simm.s32 $_tile_overlayer_lowered  }
0x9b: {  	s22 =	simm.s32 $0x1BFF;
	s21 =	sshll.u32 s5, $0x1;
	s2 =	sadd.s32 s19, s18  }
0x9c: {  	s6 =	simm.s32 $0x0;
	s20 =	sshll.u32 s4, $0x1;
	s4 =	sadd.s32 s21, s2  }
0x9d: {  	[timem:s6], [sflag:s22] =	dma.local [hbm:s4], s20  }
0x9e: {  	_ =	swait.ge [sflag:s22], s20  }
0x9f: {  	s3 =	ssub.s32 $0x0, s20;
	[sflag:s22] =	ssyncset.done $0x0  }
0xa0: {  	[sflag:s22] =	ssyncadd.s32 s3;
	_ =	sdelay $0x1  }
0xa1: {  	s23 =	simm.s32 $0x1B8B  }
0xa2: {  	_ =	swait.ge [sflag:s23], $0x1  }
0xa3: {  	[sflag:s23] =	ssyncset.done $0x0  }
0xa4: {  	s25 =	simm.s32 $0x1B8E;
	s24 =	sld [smem:$0x3FFE];
	[sflag:s23] =	ssyncadd.s32 $0xFFFFFFFF  }
0xa5: {  	s26 =	simm.s32 $execute0_lowered;
	[smem:$0x3FD2] =	sst s25  }
0xa6: {  	s4 =	sshll.u32 s26, $0x1;
	_ =	strace $0x8000004C;
	[dreg:$0x1] =	wrdreg $0xFFFFFFFF  }
0xa7: {  	s28 =	simm.s32 $_size_execute0_lowered;
	s2 =	sadd.s32 s2, s4;
	[dreg:$0x0] =	wrdreg $0x0  }
0xa8: {  	s4 =	sshll.u32 s28, $0x1;
	[dreg:$0x2] =	wrdreg s2  }
0xa9: {  	[dreg:$0x3] =	wrdreg s4  }
0xaa: {  	[dreg:$0x4] =	wrdreg $0xC0  }
0xab: {  	_ =	task [dreg:s6], $0x5FFFF  }
0xac: {  	[dreg:$0x1] =	wrdreg $0xFFFFFFFF  }
0xad: {  	[dreg:$0x0] =	wrdreg $0x60  }
0xae: {  	[dreg:$0x2] =	wrdreg s24  }
0xaf: {  	[dreg:$0x3] =	wrdreg $0x50000  }
0xb0: {  	[dreg:$0x4] =	wrdreg $0x9  }
0xb1: {  	_ =	task.clear_ibuf [dreg:s6], $0x5FFFF;
	_ =	strace $0x9000004C  }
0xb2: {  	s29 =	simm.s32 $0x9;
	_ =	strace $0x8000004E  }
0xb3: {  	_ =	swait.ge [sflag:s29], $0x1  }
0xb4: {  	[sflag:s29] =	ssyncadd.s32 $0xFFFFFFFF  }
0xb5: {  	_ =	strace $0x9000004E  }
0xb6: {  	_ =	sfence  }
0xb7: {  	s30 =	sld [smem:$0x0];
	_ =	sdelay $0x2  }
0xb8: {  	s31 =	sshll.u32 s1, $0xD;
	s1 =	sshrl.u32 s1, $0x2  }
0xb9: {  	s3 =	sand.u32 $0x4000, s31;
	s1 =	sadd.s32 s1, s30  }
0xba: {  	s0 =	sor.u32 s3, s0;
	s1 =	sshll.u32 s1, $0x11  }
0xbb: {  	s0 =	sor.u32 s1, s0  }
0xbc: {  	s0 =	sadd.s32 $0x8F2B, s0  }
0xbd: {  	[sflag:s0] =	ssyncadd.remote.s32 $0x1  }
0xbe: {  	_ =	sfence.sel $0xFFFF  }
0xbf: {  	[dreg:$0x0] =	wrdreg $0xFFFFFFFF;
	(pc) =	sbr.abs _section_cstart, $3  }
0xc0: {  	[dreg:$0x1] =	wrdreg $0xFFFFFFFF  }
0xc1: {  	_ =	task.clear_ibuf [dreg:s6], $0x2FFFF;
	_ =	strace $0x9FFFFFFF  }
0xc2: {  	(tm) =	ssettm $0x7FFFFFFF  }
0xc3: {  	_ =	shalt  }
tec
execute0_lowered:
.L_overlay_start_1:
0x0: {  	(tag) =	ssettag $0x1  }
0x1: {  	s1 =	rddreg [dreg:$0x0]  }
0x2: {  	s0 =	srdreg.scid;
	s2 =	rddreg [dreg:$0x1]  }
0x3: {  	s11 =	stileid.u32;
	s3 =	simm.s32 $0x0;
	s12 =	simm.s32 $0x80  }
0x4: {  	s13 =	simm.s32 $0x100;
	s15 =	simm.s32 $0x880;
	[smem:$0x7FF] =	sst s3  }
0x5: {  	s16 =	simm.s32 $0x180;
	_ =	strace $0x8000004D;
	[dreg:$0x5] =	wrdreg s12  }
0x6: {  	s17 =	simm.s32 $0x900;
	s18 =	simm.s32 $0x200;
	[dreg:$0x6] =	wrdreg s13  }
0x7: {  	s19 =	simm.s32 $0x980;
	s20 =	simm.s32 $0x280;
	[dreg:$0x7] =	wrdreg s15  }
0x8: {  	s21 =	simm.s32 $0xA00;
	s22 =	simm.s32 $0x300;
	[dreg:$0x8] =	wrdreg s16  }
0x9: {  	s23 =	simm.s32 $0xA80;
	s24 =	simm.s32 $0x380;
	[dreg:$0x9] =	wrdreg s17  }
0xa: {  	s28 =	simm.s32 $0x680;
	s29 =	simm.s32 $0xE00;
	[dreg:$0xa] =	wrdreg s18  }
0xb: {  	s30 =	simm.s32 $0x700;
	s31 =	simm.s32 $0xE80;
	[dreg:$0xb] =	wrdreg s19  }
0xc: {  	s0 =	sand.u32 $0x1, s0;
	s6 =	smul.u32 $0x2780, s11;
	[dreg:$0xc] =	wrdreg s20  }
0xd: {  	s10 =	smul.u32 $0x4F000, s11;
	s14 =	sshll.u32 s11, $0x6;
	[dreg:$0xd] =	wrdreg s21  }
0xe: {  	s4 =	sshll.u32 s0, $0x4;
	s7 =	smul.u32 $0x27800, s0;
	[dreg:$0xe] =	wrdreg s22  }
0xf: {  	s0 =	ssub.s32 $0x2, s0;
	s12 =	simm.s32 $0x1000;
	[dreg:$0xf] =	wrdreg s23  }
0x10: {  	s13 =	simm.s32 $0x3000;
	[dreg:$0x10] =	wrdreg s24;
	s15 =	simm.s32 $0x2  }
0x11: {  	s16 =	simm.s32 $0x400;
	s17 =	simm.s32 $0xB80;
	s18 =	simm.s32 $0x480  }
0x12: {  	s19 =	simm.s32 $0xC00;
	s20 =	simm.s32 $0x500;
	s21 =	simm.s32 $0xC80  }
0x13: {  	s22 =	simm.s32 $0x580;
	s23 =	simm.s32 $0xD00;
	s24 =	simm.s32 $0x0  }
0x14: {  	s4 =	sor.u32 s11, s4;
	s8 =	sadd.s32 s6, s1;
	s9 =	sshrl.u32 s0, $0x1  }
0x15: {  	s26 =	sshrl.u32 s10, $0x2;
	s11 =	simm.s32 $0x40;
	s5 =	smul.u32 $0xA00, s4  }
0x16: {  	s4 =	sadd.s32 $0x3D800, s1;
	s0 =	ssub.s32 s0, s9;
	s8 =	sadd.s32 $0x16000, s8  }
0x17: {  	s10 =	sadd.s32 s26, s2;
	s9 =	simm.s32 $0x3;
	[dreg:$0x12] =	wrdreg s8  }
0x18: {  	s8 =	sor.u32 $0x1C03, s14;
	s0 =	smax.u32 s0, $0x1;
	s14 =	simm.s32 $0x1  }
0x19: {  	s5 =	sadd.s32 s5, s1;
	s1 =	sadd.s32 s7, s1;
	[dreg:$0x14] =	wrdreg s0  }
0x1a: {  	s7 =	sshrl.u32 s10, $0x3;
	s10 =	simm.s32 $0x800;
	[dreg:$0x13] =	wrdreg s8  }
0x1b: {  	s0 =	simm.s32 $0x780;
	s25 =	sadd.s32 $0x8C800, s5;
	[dreg:$0x15] =	wrdreg s7  }
0x1c: {  	s5 =	sadd.s32 $0x2000, s5;
	s1 =	sadd.s32 $0xA0800, s1;
	[dreg:$0x3] =	wrdreg s25  }
0x1d: {  	[dreg:$0x4] =	wrdreg s5;
	s25 =	simm.s32 $0xB00;
	s26 =	sadd.s32 s6, s1  }
0x1e: {  	s1 =	simm.s32 $0xF00;
	s5 =	simm.s32 $0xF80;
	[dreg:$0x11] =	wrdreg s25  }
0x1f: {  	[dreg:$0x16] =	wrdreg s26;
	s25 =	simm.s32 $0x600;
	s26 =	simm.s32 $0xD80  }
.LBB2_1:
0x20: {  	[dreg:$0x17] =	wrdreg s24  }
0x21: {  	s6 =	rddreg [dreg:$0x12]  }
0x22: {  	[spmem:s7], [sflag:s8] =	dma.local [hbm:s6], $0x2780  }
0x23: {  	_ =	swait.ge [sflag:s9], $0x2780  }
0x24: {  	[sflag:s9] =	ssyncset.done $0x0  }
0x25: {  	[sflag:s9] =	ssyncadd.s32 $0xFFFFD880  }
0x26: {  	[bflag:$0x0] =	sbarrier.arrive $0xFFFF  }
0x27: {  	s7 =	rddreg [dreg:$0x3]  }
0x28: {  	s6 =	sadd.s32 $0x0, s7  }
0x29: {  	[tilespmem:s3], [sflag:$0x3] =	stream.linear.gather [hbm4b:s6+s3], $0x800, $0x38;
	[tilespmem:$0x18C00] =	vst v63  }
0x2a: {  	_ =	swait.ge [sflag:s9], $0x800  }
0x2b: {  	s8 =	rddreg [dreg:$0x4];
	[sflag:s9] =	ssyncset.done $0x0  }
0x2c: {  	[sflag:s9] =	ssyncadd.s32 $0xFFFFF800;
	s6 =	sadd.s32 $0x0, s8  }
0x2d: {  	[tilespmem:s10], [sflag:$0x3] =	stream.linear.gather [hbm4b:s6+s3], $0x800, $0x38;
	[tilespmem:$0x18C00] =	vst v63  }
0x2e: {  	_ =	swait.ge [sflag:s9], $0x800  }
0x2f: {  	[sflag:s9] =	ssyncset.done $0x0  }
0x30: {  	[sflag:s9] =	ssyncadd.s32 $0xFFFFF800  }
0x31: {  	[tilespmem:s12], [sflag:$0x1] =	stream.indirect.gather [hbm4b:s4+s11], $0x80, s3, s11, $0xb8;
	[tilespmem:$0x18C00] =	vst v63  }
0x32: {  	s24 =	rddreg [dreg:$0x5]  }
0x33: {  	[tilespmem:s13], [sflag:$0x2] =	stream.indirect.gather [hbm4b:s4+s11], $0x80, s24, s11, $0xb8;
	[tilespmem:$0x18C00] =	vst v63  }
0x34: {  	_ =	swait.ge [sflag:s14], $0x2000  }
0x35: {  	[sflag:s14] =	ssyncset.done $0x0  }
0x36: {  	[sflag:s14] =	ssyncadd.s32 $0xFFFFE000  }
0x37: {  	[spmem:s2] =	stream.indirect.scatter.add.f32 [tilespmem:s12], [sflag:$0x3], $0x80, s10, s11, $0xb8;
	[tilespmem:$0x18C00] =	vst v63  }
0x38: {  	_ =	swait.ge [sflag:s9], $0x2000  }
0x39: {  	[sflag:s9] =	ssyncset.done $0x0  }
0x3a: {  	s7 =	rddreg [dreg:$0x6];
	[sflag:s9] =	ssyncadd.s32 $0xFFFFE000  }
0x3b: {  	[tilespmem:s12], [sflag:$0x1] =	stream.indirect.gather [hbm4b:s4+s11], $0x80, s7, s11, $0xb8;
	[tilespmem:$0x18C00] =	vst v63  }
0x3c: {  	_ =	swait.ge [sflag:s15], $0x2000  }
0x3d: {  	[sflag:s15] =	ssyncset.done $0x0  }
0x3e: {  	s8 =	rddreg [dreg:$0x7];
	[sflag:s15] =	ssyncadd.s32 $0xFFFFE000  }
0x3f: {  	[spmem:s2] =	stream.indirect.scatter.add.f32 [tilespmem:s13], [sflag:$0x3], $0x80, s8, s11, $0xb8;
	[tilespmem:$0x18C00] =	vst v63  }
0x40: {  	_ =	swait.ge [sflag:s9], $0x2000  }
0x41: {  	[sflag:s9] =	ssyncset.done $0x0  }
0x42: {  	s24 =	rddreg [dreg:$0x8];
	[sflag:s9] =	ssyncadd.s32 $0xFFFFE000  }
0x43: {  	[tilespmem:s13], [sflag:$0x2] =	stream.indirect.gather [hbm4b:s4+s11], $0x80, s24, s11, $0xb8;
	[tilespmem:$0x18C00] =	vst v63  }
0x44: {  	_ =	swait.ge [sflag:s14], $0x2000  }
0x45: {  	[sflag:s14] =	ssyncset.done $0x0  }
0x46: {  	s7 =	rddreg [dreg:$0x9];
	[sflag:s14] =	ssyncadd.s32 $0xFFFFE000  }
0x47: {  	[spmem:s2] =	stream.indirect.scatter.add.f32 [tilespmem:s12], [sflag:$0x3], $0x80, s7, s11, $0xb8;
	[tilespmem:$0x18C00] =	vst v63  }
0x48: {  	_ =	swait.ge [sflag:s9], $0x2000  }
0x49: {  	[sflag:s9] =	ssyncset.done $0x0  }
0x4a: {  	s8 =	rddreg [dreg:$0xa];
	[sflag:s9] =	ssyncadd.s32 $0xFFFFE000  }
0x4b: {  	[tilespmem:s12], [sflag:$0x1] =	stream.indirect.gather [hbm4b:s4+s11], $0x80, s8, s11, $0xb8;
	[tilespmem:$0x18C00] =	vst v63  }
0x4c: {  	_ =	swait.ge [sflag:s15], $0x2000  }
0x4d: {  	[sflag:s15] =	ssyncset.done $0x0  }
0x4e: {  	s24 =	rddreg [dreg:$0xb];
	[sflag:s15] =	ssyncadd.s32 $0xFFFFE000  }
0x4f: {  	[spmem:s2] =	stream.indirect.scatter.add.f32 [tilespmem:s13], [sflag:$0x3], $0x80, s24, s11, $0xb8;
	[tilespmem:$0x18C00] =	vst v63  }
0x50: {  	_ =	swait.ge [sflag:s9], $0x2000  }
0x51: {  	[sflag:s9] =	ssyncset.done $0x0  }
0x52: {  	s7 =	rddreg [dreg:$0xc];
	[sflag:s9] =	ssyncadd.s32 $0xFFFFE000  }
0x53: {  	[tilespmem:s13], [sflag:$0x2] =	stream.indirect.gather [hbm4b:s4+s11], $0x80, s7, s11, $0xb8;
	[tilespmem:$0x18C00] =	vst v63  }
0x54: {  	_ =	swait.ge [sflag:s14], $0x2000  }
0x55: {  	[sflag:s14] =	ssyncset.done $0x0  }
0x56: {  	s8 =	rddreg [dreg:$0xd];
	[sflag:s14] =	ssyncadd.s32 $0xFFFFE000  }
0x57: {  	[spmem:s2] =	stream.indirect.scatter.add.f32 [tilespmem:s12], [sflag:$0x3], $0x80, s8, s11, $0xb8;
	[tilespmem:$0x18C00] =	vst v63  }
0x58: {  	_ =	swait.ge [sflag:s9], $0x2000  }
0x59: {  	[sflag:s9] =	ssyncset.done $0x0  }
0x5a: {  	s24 =	rddreg [dreg:$0xe];
	[sflag:s9] =	ssyncadd.s32 $0xFFFFE000  }
0x5b: {  	[tilespmem:s12], [sflag:$0x1] =	stream.indirect.gather [hbm4b:s4+s11], $0x80, s24, s11, $0xb8;
	[tilespmem:$0x18C00] =	vst v63  }
0x5c: {  	_ =	swait.ge [sflag:s15], $0x2000  }
0x5d: {  	[sflag:s15] =	ssyncset.done $0x0  }
0x5e: {  	s7 =	rddreg [dreg:$0xf];
	[sflag:s15] =	ssyncadd.s32 $0xFFFFE000  }
0x5f: {  	[spmem:s2] =	stream.indirect.scatter.add.f32 [tilespmem:s13], [sflag:$0x3], $0x80, s7, s11, $0xb8;
	[tilespmem:$0x18C00] =	vst v63  }
0x60: {  	_ =	swait.ge [sflag:s9], $0x2000  }
0x61: {  	[sflag:s9] =	ssyncset.done $0x0  }
0x62: {  	s8 =	rddreg [dreg:$0x10];
	[sflag:s9] =	ssyncadd.s32 $0xFFFFE000  }
0x63: {  	[tilespmem:s13], [sflag:$0x2] =	stream.indirect.gather [hbm4b:s4+s11], $0x80, s8, s11, $0xb8;
	[tilespmem:$0x18C00] =	vst v63  }
0x64: {  	_ =	swait.ge [sflag:s14], $0x2000  }
0x65: {  	[sflag:s14] =	ssyncset.done $0x0  }
0x66: {  	s24 =	rddreg [dreg:$0x11];
	[sflag:s14] =	ssyncadd.s32 $0xFFFFE000  }
0x67: {  	[spmem:s2] =	stream.indirect.scatter.add.f32 [tilespmem:s12], [sflag:$0x3], $0x80, s24, s11, $0xb8;
	[tilespmem:$0x18C00] =	vst v63  }
0x68: {  	_ =	swait.ge [sflag:s9], $0x2000  }
0x69: {  	[sflag:s9] =	ssyncset.done $0x0  }
0x6a: {  	[sflag:s9] =	ssyncadd.s32 $0xFFFFE000  }
0x6b: {  	[tilespmem:s12], [sflag:$0x1] =	stream.indirect.gather [hbm4b:s4+s11], $0x80, s16, s11, $0xb8;
	[tilespmem:$0x18C00] =	vst v63  }
0x6c: {  	_ =	swait.ge [sflag:s15], $0x2000  }
0x6d: {  	[sflag:s15] =	ssyncset.done $0x0  }
0x6e: {  	[sflag:s15] =	ssyncadd.s32 $0xFFFFE000  }
0x6f: {  	[spmem:s2] =	stream.indirect.scatter.add.f32 [tilespmem:s13], [sflag:$0x3], $0x80, s17, s11, $0xb8;
	[tilespmem:$0x18C00] =	vst v63  }
0x70: {  	_ =	swait.ge [sflag:s9], $0x2000  }
0x71: {  	[sflag:s9] =	ssyncset.done $0x0  }
0x72: {  	[sflag:s9] =	ssyncadd.s32 $0xFFFFE000  }
0x73: {  	[tilespmem:s13], [sflag:$0x2] =	stream.indirect.gather [hbm4b:s4+s11], $0x80, s18, s11, $0xb8;
	[tilespmem:$0x18C00] =	vst v63  }
0x74: {  	_ =	swait.ge [sflag:s14], $0x2000  }
0x75: {  	[sflag:s14] =	ssyncset.done $0x0  }
0x76: {  	[sflag:s14] =	ssyncadd.s32 $0xFFFFE000  }
0x77: {  	[spmem:s2] =	stream.indirect.scatter.add.f32 [tilespmem:s12], [sflag:$0x3], $0x80, s19, s11, $0xb8;
	[tilespmem:$0x18C00] =	vst v63  }
0x78: {  	_ =	swait.ge [sflag:s9], $0x2000  }
0x79: {  	[sflag:s9] =	ssyncset.done $0x0  }
0x7a: {  	[sflag:s9] =	ssyncadd.s32 $0xFFFFE000  }
0x7b: {  	[tilespmem:s12], [sflag:$0x1] =	stream.indirect.gather [hbm4b:s4+s11], $0x80, s20, s11, $0xb8;
	[tilespmem:$0x18C00] =	vst v63  }
0x7c: {  	_ =	swait.ge [sflag:s15], $0x2000  }
0x7d: {  	[sflag:s15] =	ssyncset.done $0x0  }
0x7e: {  	[sflag:s15] =	ssyncadd.s32 $0xFFFFE000  }
0x7f: {  	[spmem:s2] =	stream.indirect.scatter.add.f32 [tilespmem:s13], [sflag:$0x3], $0x80, s21, s11, $0xb8;
	[tilespmem:$0x18C00] =	vst v63  }
0x80: {  	_ =	swait.ge [sflag:s9], $0x2000  }
0x81: {  	[sflag:s9] =	ssyncset.done $0x0  }
0x82: {  	[sflag:s9] =	ssyncadd.s32 $0xFFFFE000  }
0x83: {  	[tilespmem:s13], [sflag:$0x2] =	stream.indirect.gather [hbm4b:s4+s11], $0x80, s22, s11, $0xb8;
	[tilespmem:$0x18C00] =	vst v63  }
0x84: {  	_ =	swait.ge [sflag:s14], $0x2000  }
0x85: {  	[sflag:s14] =	ssyncset.done $0x0  }
0x86: {  	[sflag:s14] =	ssyncadd.s32 $0xFFFFE000  }
0x87: {  	[spmem:s2] =	stream.indirect.scatter.add.f32 [tilespmem:s12], [sflag:$0x3], $0x80, s23, s11, $0xb8;
	[tilespmem:$0x18C00] =	vst v63  }
0x88: {  	_ =	swait.ge [sflag:s9], $0x2000  }
0x89: {  	[sflag:s9] =	ssyncset.done $0x0  }
0x8a: {  	[sflag:s9] =	ssyncadd.s32 $0xFFFFE000  }
0x8b: {  	[tilespmem:s12], [sflag:$0x1] =	stream.indirect.gather [hbm4b:s4+s11], $0x80, s25, s11, $0xb8;
	[tilespmem:$0x18C00] =	vst v63  }
0x8c: {  	_ =	swait.ge [sflag:s15], $0x2000  }
0x8d: {  	[sflag:s15] =	ssyncset.done $0x0  }
0x8e: {  	[sflag:s15] =	ssyncadd.s32 $0xFFFFE000  }
0x8f: {  	[spmem:s2] =	stream.indirect.scatter.add.f32 [tilespmem:s13], [sflag:$0x3], $0x80, s26, s11, $0xb8;
	[tilespmem:$0x18C00] =	vst v63  }
0x90: {  	_ =	swait.ge [sflag:s9], $0x2000  }
0x91: {  	[sflag:s9] =	ssyncset.done $0x0  }
0x92: {  	[sflag:s9] =	ssyncadd.s32 $0xFFFFE000  }
0x93: {  	[tilespmem:s13], [sflag:$0x2] =	stream.indirect.gather [hbm4b:s4+s11], $0x80, s28, s11, $0xb8;
	[tilespmem:$0x18C00] =	vst v63  }
0x94: {  	_ =	swait.ge [sflag:s14], $0x2000  }
0x95: {  	[sflag:s14] =	ssyncset.done $0x0  }
0x96: {  	[sflag:s14] =	ssyncadd.s32 $0xFFFFE000  }
0x97: {  	[spmem:s2] =	stream.indirect.scatter.add.f32 [tilespmem:s12], [sflag:$0x3], $0x80, s29, s11, $0xb8;
	[tilespmem:$0x18C00] =	vst v63  }
0x98: {  	_ =	swait.ge [sflag:s9], $0x2000  }
0x99: {  	[sflag:s9] =	ssyncset.done $0x0  }
0x9a: {  	[sflag:s9] =	ssyncadd.s32 $0xFFFFE000  }
0x9b: {  	[tilespmem:s12], [sflag:$0x1] =	stream.indirect.gather [hbm4b:s4+s11], $0x80, s30, s11, $0xb8;
	[tilespmem:$0x18C00] =	vst v63  }
0x9c: {  	_ =	swait.ge [sflag:s15], $0x2000  }
0x9d: {  	[sflag:s15] =	ssyncset.done $0x0  }
0x9e: {  	[sflag:s15] =	ssyncadd.s32 $0xFFFFE000  }
0x9f: {  	[spmem:s2] =	stream.indirect.scatter.add.f32 [tilespmem:s13], [sflag:$0x3], $0x80, s31, s11, $0xb8;
	[tilespmem:$0x18C00] =	vst v63  }
0xa0: {  	_ =	swait.ge [sflag:s9], $0x2000  }
0xa1: {  	[sflag:s9] =	ssyncset.done $0x0  }
0xa2: {  	[sflag:s9] =	ssyncadd.s32 $0xFFFFE000  }
0xa3: {  	[tilespmem:s13], [sflag:$0x2] =	stream.indirect.gather [hbm4b:s4+s11], $0x80, s0, s11, $0xb8;
	[tilespmem:$0x18C00] =	vst v63  }
0xa4: {  	_ =	swait.ge [sflag:s14], $0x2000  }
0xa5: {  	[sflag:s14] =	ssyncset.done $0x0  }
0xa6: {  	[sflag:s14] =	ssyncadd.s32 $0xFFFFE000  }
0xa7: {  	[spmem:s2] =	stream.indirect.scatter.add.f32 [tilespmem:s12], [sflag:$0x3], $0x80, s1, s11, $0xb8;
	[tilespmem:$0x18C00] =	vst v63  }
0xa8: {  	_ =	swait.ge [sflag:s9], $0x2000  }
0xa9: {  	[sflag:s9] =	ssyncset.done $0x0  }
0xaa: {  	[sflag:s9] =	ssyncadd.s32 $0xFFFFE000  }
0xab: {  	_ =	swait.ge [sflag:s15], $0x2000  }
0xac: {  	[sflag:s15] =	ssyncset.done $0x0  }
0xad: {  	[sflag:s15] =	ssyncadd.s32 $0xFFFFE000  }
0xae: {  	[spmem:s2] =	stream.indirect.scatter.add.f32 [tilespmem:s13], [sflag:$0x3], $0x80, s5, s11, $0xb8;
	[tilespmem:$0x18C00] =	vst v63  }
0xaf: {  	s6 =	simm.s32 $0x200;
	_ =	swait.ge [sflag:s9], $0x2000  }
0xb0: {  	s24 =	simm.s32 $0x100;
	s8 =	rddreg [dreg:$0x3];
	[sflag:s9] =	ssyncset.done $0x0  }
.LBB2_2:
0xb1: {  	[sflag:s9] =	ssyncadd.s32 $0xFFFFE000;
	s8 =	sadd.s32 s24, s8  }
0xb2: {  	[tilespmem:s3], [sflag:$0x3] =	stream.linear.gather [hbm4b:s8+s3], $0x800, $0x38;
	[tilespmem:$0x18C00] =	vst v63  }
0xb3: {  	_ =	swait.ge [sflag:s9], $0x800  }
0xb4: {  	s8 =	rddreg [dreg:$0x4];
	[sflag:s9] =	ssyncset.done $0x0  }
0xb5: {  	[sflag:s9] =	ssyncadd.s32 $0xFFFFF800;
	s8 =	sadd.s32 s24, s8  }
0xb6: {  	[tilespmem:s10], [sflag:$0x3] =	stream.linear.gather [hbm4b:s8+s3], $0x800, $0x38;
	[tilespmem:$0x18C00] =	vst v63  }
0xb7: {  	_ =	swait.ge [sflag:s9], $0x800  }
0xb8: {  	[sflag:s9] =	ssyncset.done $0x0  }
0xb9: {  	[sflag:s9] =	ssyncadd.s32 $0xFFFFF800  }
0xba: {  	[tilespmem:s12], [sflag:$0x1] =	stream.indirect.gather [hbm4b:s4+s11], $0x80, s3, s11, $0xb8;
	[tilespmem:$0x18C00] =	vst v63  }
0xbb: {  	s8 =	rddreg [dreg:$0x5]  }
0xbc: {  	[tilespmem:s13], [sflag:$0x2] =	stream.indirect.gather [hbm4b:s4+s11], $0x80, s8, s11, $0xb8;
	[tilespmem:$0x18C00] =	vst v63  }
0xbd: {  	_ =	swait.ge [sflag:s14], $0x2000  }
0xbe: {  	[sflag:s14] =	ssyncset.done $0x0  }
0xbf: {  	[sflag:s14] =	ssyncadd.s32 $0xFFFFE000  }
0xc0: {  	[spmem:s2] =	stream.indirect.scatter.add.f32 [tilespmem:s12], [sflag:$0x3], $0x80, s10, s11, $0xb8;
	[tilespmem:$0x18C00] =	vst v63  }
0xc1: {  	_ =	swait.ge [sflag:s9], $0x2000  }
0xc2: {  	[sflag:s9] =	ssyncset.done $0x0  }
0xc3: {  	s8 =	rddreg [dreg:$0x6];
	[sflag:s9] =	ssyncadd.s32 $0xFFFFE000  }
0xc4: {  	[tilespmem:s12], [sflag:$0x1] =	stream.indirect.gather [hbm4b:s4+s11], $0x80, s8, s11, $0xb8;
	[tilespmem:$0x18C00] =	vst v63  }
0xc5: {  	_ =	swait.ge [sflag:s15], $0x2000  }
0xc6: {  	[sflag:s15] =	ssyncset.done $0x0  }
0xc7: {  	s8 =	rddreg [dreg:$0x7];
	[sflag:s15] =	ssyncadd.s32 $0xFFFFE000  }
0xc8: {  	[spmem:s2] =	stream.indirect.scatter.add.f32 [tilespmem:s13], [sflag:$0x3], $0x80, s8, s11, $0xb8;
	[tilespmem:$0x18C00] =	vst v63  }
0xc9: {  	_ =	swait.ge [sflag:s9], $0x2000  }
0xca: {  	[sflag:s9] =	ssyncset.done $0x0  }
0xcb: {  	s8 =	rddreg [dreg:$0x8];
	[sflag:s9] =	ssyncadd.s32 $0xFFFFE000  }
0xcc: {  	[tilespmem:s13], [sflag:$0x2] =	stream.indirect.gather [hbm4b:s4+s11], $0x80, s8, s11, $0xb8;
	[tilespmem:$0x18C00] =	vst v63  }
0xcd: {  	_ =	swait.ge [sflag:s14], $0x2000  }
0xce: {  	[sflag:s14] =	ssyncset.done $0x0  }
0xcf: {  	s8 =	rddreg [dreg:$0x9];
	[sflag:s14] =	ssyncadd.s32 $0xFFFFE000  }
0xd0: {  	[spmem:s2] =	stream.indirect.scatter.add.f32 [tilespmem:s12], [sflag:$0x3], $0x80, s8, s11, $0xb8;
	[tilespmem:$0x18C00] =	vst v63  }
0xd1: {  	_ =	swait.ge [sflag:s9], $0x2000  }
0xd2: {  	[sflag:s9] =	ssyncset.done $0x0  }
0xd3: {  	s8 =	rddreg [dreg:$0xa];
	[sflag:s9] =	ssyncadd.s32 $0xFFFFE000  }
0xd4: {  	[tilespmem:s12], [sflag:$0x1] =	stream.indirect.gather [hbm4b:s4+s11], $0x80, s8, s11, $0xb8;
	[tilespmem:$0x18C00] =	vst v63  }
0xd5: {  	_ =	swait.ge [sflag:s15], $0x2000  }
0xd6: {  	[sflag:s15] =	ssyncset.done $0x0  }
0xd7: {  	s8 =	rddreg [dreg:$0xb];
	[sflag:s15] =	ssyncadd.s32 $0xFFFFE000  }
0xd8: {  	[spmem:s2] =	stream.indirect.scatter.add.f32 [tilespmem:s13], [sflag:$0x3], $0x80, s8, s11, $0xb8;
	[tilespmem:$0x18C00] =	vst v63  }
0xd9: {  	_ =	swait.ge [sflag:s9], $0x2000  }
0xda: {  	[sflag:s9] =	ssyncset.done $0x0  }
0xdb: {  	s8 =	rddreg [dreg:$0xc];
	[sflag:s9] =	ssyncadd.s32 $0xFFFFE000  }
0xdc: {  	[tilespmem:s13], [sflag:$0x2] =	stream.indirect.gather [hbm4b:s4+s11], $0x80, s8, s11, $0xb8;
	[tilespmem:$0x18C00] =	vst v63  }
0xdd: {  	_ =	swait.ge [sflag:s14], $0x2000  }
0xde: {  	[sflag:s14] =	ssyncset.done $0x0  }
0xdf: {  	s8 =	rddreg [dreg:$0xd];
	[sflag:s14] =	ssyncadd.s32 $0xFFFFE000  }
0xe0: {  	[spmem:s2] =	stream.indirect.scatter.add.f32 [tilespmem:s12], [sflag:$0x3], $0x80, s8, s11, $0xb8;
	[tilespmem:$0x18C00] =	vst v63  }
0xe1: {  	_ =	swait.ge [sflag:s9], $0x2000  }
0xe2: {  	[sflag:s9] =	ssyncset.done $0x0  }
0xe3: {  	s8 =	rddreg [dreg:$0xe];
	[sflag:s9] =	ssyncadd.s32 $0xFFFFE000  }
0xe4: {  	[tilespmem:s12], [sflag:$0x1] =	stream.indirect.gather [hbm4b:s4+s11], $0x80, s8, s11, $0xb8;
	[tilespmem:$0x18C00] =	vst v63  }
0xe5: {  	_ =	swait.ge [sflag:s15], $0x2000  }
0xe6: {  	[sflag:s15] =	ssyncset.done $0x0  }
0xe7: {  	s8 =	rddreg [dreg:$0xf];
	[sflag:s15] =	ssyncadd.s32 $0xFFFFE000  }
0xe8: {  	[spmem:s2] =	stream.indirect.scatter.add.f32 [tilespmem:s13], [sflag:$0x3], $0x80, s8, s11, $0xb8;
	[tilespmem:$0x18C00] =	vst v63  }
0xe9: {  	_ =	swait.ge [sflag:s9], $0x2000  }
0xea: {  	[sflag:s9] =	ssyncset.done $0x0  }
0xeb: {  	s8 =	rddreg [dreg:$0x10];
	[sflag:s9] =	ssyncadd.s32 $0xFFFFE000  }
0xec: {  	[tilespmem:s13], [sflag:$0x2] =	stream.indirect.gather [hbm4b:s4+s11], $0x80, s8, s11, $0xb8;
	[tilespmem:$0x18C00] =	vst v63  }
0xed: {  	_ =	swait.ge [sflag:s14], $0x2000  }
0xee: {  	[sflag:s14] =	ssyncset.done $0x0  }
0xef: {  	s8 =	rddreg [dreg:$0x11];
	[sflag:s14] =	ssyncadd.s32 $0xFFFFE000  }
0xf0: {  	[spmem:s2] =	stream.indirect.scatter.add.f32 [tilespmem:s12], [sflag:$0x3], $0x80, s8, s11, $0xb8;
	[tilespmem:$0x18C00] =	vst v63  }
0xf1: {  	_ =	swait.ge [sflag:s9], $0x2000  }
0xf2: {  	[sflag:s9] =	ssyncset.done $0x0  }
0xf3: {  	[sflag:s9] =	ssyncadd.s32 $0xFFFFE000  }
0xf4: {  	[tilespmem:s12], [sflag:$0x1] =	stream.indirect.gather [hbm4b:s4+s11], $0x80, s16, s11, $0xb8;
	[tilespmem:$0x18C00] =	vst v63  }
0xf5: {  	_ =	swait.ge [sflag:s15], $0x2000  }
0xf6: {  	[sflag:s15] =	ssyncset.done $0x0  }
0xf7: {  	[sflag:s15] =	ssyncadd.s32 $0xFFFFE000  }
0xf8: {  	[spmem:s2] =	stream.indirect.scatter.add.f32 [tilespmem:s13], [sflag:$0x3], $0x80, s17, s11, $0xb8;
	[tilespmem:$0x18C00] =	vst v63  }
0xf9: {  	_ =	swait.ge [sflag:s9], $0x2000  }
0xfa: {  	[sflag:s9] =	ssyncset.done $0x0  }
0xfb: {  	[sflag:s9] =	ssyncadd.s32 $0xFFFFE000  }
0xfc: {  	[tilespmem:s13], [sflag:$0x2] =	stream.indirect.gather [hbm4b:s4+s11], $0x80, s18, s11, $0xb8;
	[tilespmem:$0x18C00] =	vst v63  }
0xfd: {  	_ =	swait.ge [sflag:s14], $0x2000  }
0xfe: {  	[sflag:s14] =	ssyncset.done $0x0  }
0xff: {  	[sflag:s14] =	ssyncadd.s32 $0xFFFFE000  }
0x100: {  	[spmem:s2] =	stream.indirect.scatter.add.f32 [tilespmem:s12], [sflag:$0x3], $0x80, s19, s11, $0xb8;
	[tilespmem:$0x18C00] =	vst v63  }
0x101: {  	_ =	swait.ge [sflag:s9], $0x2000  }
0x102: {  	[sflag:s9] =	ssyncset.done $0x0  }
0x103: {  	[sflag:s9] =	ssyncadd.s32 $0xFFFFE000  }
0x104: {  	[tilespmem:s12], [sflag:$0x1] =	stream.indirect.gather [hbm4b:s4+s11], $0x80, s20, s11, $0xb8;
	[tilespmem:$0x18C00] =	vst v63  }
0x105: {  	_ =	swait.ge [sflag:s15], $0x2000  }
0x106: {  	[sflag:s15] =	ssyncset.done $0x0  }
0x107: {  	[sflag:s15] =	ssyncadd.s32 $0xFFFFE000  }
0x108: {  	[spmem:s2] =	stream.indirect.scatter.add.f32 [tilespmem:s13], [sflag:$0x3], $0x80, s21, s11, $0xb8;
	[tilespmem:$0x18C00] =	vst v63  }
0x109: {  	_ =	swait.ge [sflag:s9], $0x2000  }
0x10a: {  	[sflag:s9] =	ssyncset.done $0x0  }
0x10b: {  	[sflag:s9] =	ssyncadd.s32 $0xFFFFE000  }
0x10c: {  	[tilespmem:s13], [sflag:$0x2] =	stream.indirect.gather [hbm4b:s4+s11], $0x80, s22, s11, $0xb8;
	[tilespmem:$0x18C00] =	vst v63  }
0x10d: {  	_ =	swait.ge [sflag:s14], $0x2000  }
0x10e: {  	[sflag:s14] =	ssyncset.done $0x0  }
0x10f: {  	[sflag:s14] =	ssyncadd.s32 $0xFFFFE000  }
0x110: {  	[spmem:s2] =	stream.indirect.scatter.add.f32 [tilespmem:s12], [sflag:$0x3], $0x80, s23, s11, $0xb8;
	[tilespmem:$0x18C00] =	vst v63  }
0x111: {  	_ =	swait.ge [sflag:s9], $0x2000  }
0x112: {  	[sflag:s9] =	ssyncset.done $0x0  }
0x113: {  	[sflag:s9] =	ssyncadd.s32 $0xFFFFE000  }
0x114: {  	[tilespmem:s12], [sflag:$0x1] =	stream.indirect.gather [hbm4b:s4+s11], $0x80, s25, s11, $0xb8;
	[tilespmem:$0x18C00] =	vst v63  }
0x115: {  	_ =	swait.ge [sflag:s15], $0x2000  }
0x116: {  	[sflag:s15] =	ssyncset.done $0x0  }
0x117: {  	[sflag:s15] =	ssyncadd.s32 $0xFFFFE000  }
0x118: {  	[spmem:s2] =	stream.indirect.scatter.add.f32 [tilespmem:s13], [sflag:$0x3], $0x80, s26, s11, $0xb8;
	[tilespmem:$0x18C00] =	vst v63  }
0x119: {  	_ =	swait.ge [sflag:s9], $0x2000  }
0x11a: {  	[sflag:s9] =	ssyncset.done $0x0  }
0x11b: {  	[sflag:s9] =	ssyncadd.s32 $0xFFFFE000  }
0x11c: {  	[tilespmem:s13], [sflag:$0x2] =	stream.indirect.gather [hbm4b:s4+s11], $0x80, s28, s11, $0xb8;
	[tilespmem:$0x18C00] =	vst v63  }
0x11d: {  	_ =	swait.ge [sflag:s14], $0x2000  }
0x11e: {  	[sflag:s14] =	ssyncset.done $0x0  }
0x11f: {  	[sflag:s14] =	ssyncadd.s32 $0xFFFFE000  }
0x120: {  	[spmem:s2] =	stream.indirect.scatter.add.f32 [tilespmem:s12], [sflag:$0x3], $0x80, s29, s11, $0xb8;
	[tilespmem:$0x18C00] =	vst v63  }
0x121: {  	_ =	swait.ge [sflag:s9], $0x2000  }
0x122: {  	[sflag:s9] =	ssyncset.done $0x0  }
0x123: {  	[sflag:s9] =	ssyncadd.s32 $0xFFFFE000  }
0x124: {  	[tilespmem:s12], [sflag:$0x1] =	stream.indirect.gather [hbm4b:s4+s11], $0x80, s30, s11, $0xb8;
	[tilespmem:$0x18C00] =	vst v63  }
0x125: {  	_ =	swait.ge [sflag:s15], $0x2000  }
0x126: {  	[sflag:s15] =	ssyncset.done $0x0  }
0x127: {  	[sflag:s15] =	ssyncadd.s32 $0xFFFFE000  }
0x128: {  	[spmem:s2] =	stream.indirect.scatter.add.f32 [tilespmem:s13], [sflag:$0x3], $0x80, s31, s11, $0xb8;
	[tilespmem:$0x18C00] =	vst v63  }
0x129: {  	_ =	swait.ge [sflag:s9], $0x2000  }
0x12a: {  	[sflag:s9] =	ssyncset.done $0x0  }
0x12b: {  	[sflag:s9] =	ssyncadd.s32 $0xFFFFE000  }
0x12c: {  	[tilespmem:s13], [sflag:$0x2] =	stream.indirect.gather [hbm4b:s4+s11], $0x80, s0, s11, $0xb8;
	[tilespmem:$0x18C00] =	vst v63  }
0x12d: {  	_ =	swait.ge [sflag:s14], $0x2000  }
0x12e: {  	[sflag:s14] =	ssyncset.done $0x0  }
0x12f: {  	[sflag:s14] =	ssyncadd.s32 $0xFFFFE000  }
0x130: {  	[spmem:s2] =	stream.indirect.scatter.add.f32 [tilespmem:s12], [sflag:$0x3], $0x80, s1, s11, $0xb8;
	[tilespmem:$0x18C00] =	vst v63  }
0x131: {  	_ =	swait.ge [sflag:s9], $0x2000  }
0x132: {  	[sflag:s9] =	ssyncset.done $0x0  }
0x133: {  	[sflag:s9] =	ssyncadd.s32 $0xFFFFE000  }
0x134: {  	p0 =	sne.s32 s6, $0x900;
	_ =	swait.ge [sflag:s15], $0x2000  }
.Ltmp0:
0x135: {  	[sflag:s15] =	ssyncset.done $0x0;
	(pc) =	sbr.rel @p0 .LBB2_2-.Ltmp0, $4  }
0x136: {  	[sflag:s15] =	ssyncadd.s32 $0xFFFFE000  }
0x137: {  	[spmem:s2] =	stream.indirect.scatter.add.f32 [tilespmem:s13], [sflag:$0x3], $0x80, s5, s11, $0xb8;
	[tilespmem:$0x18C00] =	vst v63  }
0x138: {  	s7 =	smov.u32 s6;
	s6 =	sadd.s32 $0x100, s6;
	_ =	swait.ge [sflag:s9], $0x2000  }
0x139: {  	s24 =	smov.u32 s7;
	s8 =	rddreg [dreg:$0x3];
	[sflag:s9] =	ssyncset.done $0x0  }
0x13a: {  	[sflag:s9] =	ssyncadd.s32 $0xFFFFE000;
	s6 =	sadd.s32 s24, s8  }
0x13b: {  	[tilespmem:s3], [sflag:$0x3] =	stream.linear.gather [hbm4b:s6+s3], $0x800, $0x38;
	[tilespmem:$0x18C00] =	vst v63  }
0x13c: {  	_ =	swait.ge [sflag:s9], $0x800  }
0x13d: {  	s7 =	rddreg [dreg:$0x4];
	[sflag:s9] =	ssyncset.done $0x0  }
0x13e: {  	s6 =	sadd.s32 s24, s7;
	[sflag:s9] =	ssyncadd.s32 $0xFFFFF800  }
0x13f: {  	[tilespmem:s10], [sflag:$0x3] =	stream.linear.gather [hbm4b:s6+s3], $0x800, $0x38;
	[tilespmem:$0x18C00] =	vst v63  }
0x140: {  	_ =	swait.ge [sflag:s9], $0x800  }
0x141: {  	[sflag:s9] =	ssyncset.done $0x0  }
0x142: {  	[sflag:s9] =	ssyncadd.s32 $0xFFFFF800  }
0x143: {  	[tilespmem:s12], [sflag:$0x1] =	stream.indirect.gather [hbm4b:s4+s11], $0x80, s3, s11, $0xb8;
	[tilespmem:$0x18C00] =	vst v63  }
0x144: {  	s8 =	rddreg [dreg:$0x5]  }
0x145: {  	[tilespmem:s13], [sflag:$0x2] =	stream.indirect.gather [hbm4b:s4+s11], $0x80, s8, s11, $0xb8;
	[tilespmem:$0x18C00] =	vst v63  }
0x146: {  	_ =	swait.ge [sflag:s14], $0x2000  }
0x147: {  	[sflag:s14] =	ssyncset.done $0x0  }
0x148: {  	[sflag:s14] =	ssyncadd.s32 $0xFFFFE000  }
0x149: {  	[spmem:s2] =	stream.indirect.scatter.add.f32 [tilespmem:s12], [sflag:$0x3], $0x80, s10, s11, $0xb8;
	[tilespmem:$0x18C00] =	vst v63  }
0x14a: {  	_ =	swait.ge [sflag:s9], $0x2000  }
0x14b: {  	[sflag:s9] =	ssyncset.done $0x0  }
0x14c: {  	s24 =	rddreg [dreg:$0x6];
	[sflag:s9] =	ssyncadd.s32 $0xFFFFE000  }
0x14d: {  	[tilespmem:s12], [sflag:$0x1] =	stream.indirect.gather [hbm4b:s4+s11], $0x80, s24, s11, $0xb8;
	[tilespmem:$0x18C00] =	vst v63  }
0x14e: {  	_ =	swait.ge [sflag:s15], $0x2000  }
0x14f: {  	[sflag:s15] =	ssyncset.done $0x0  }
0x150: {  	s7 =	rddreg [dreg:$0x7];
	[sflag:s15] =	ssyncadd.s32 $0xFFFFE000  }
0x151: {  	[spmem:s2] =	stream.indirect.scatter.add.f32 [tilespmem:s13], [sflag:$0x3], $0x80, s7, s11, $0xb8;
	[tilespmem:$0x18C00] =	vst v63  }
0x152: {  	_ =	swait.ge [sflag:s9], $0x2000  }
0x153: {  	[sflag:s9] =	ssyncset.done $0x0  }
0x154: {  	s8 =	rddreg [dreg:$0x8];
	[sflag:s9] =	ssyncadd.s32 $0xFFFFE000  }
0x155: {  	[tilespmem:s13], [sflag:$0x2] =	stream.indirect.gather [hbm4b:s4+s11], $0x80, s8, s11, $0xb8;
	[tilespmem:$0x18C00] =	vst v63  }
0x156: {  	_ =	swait.ge [sflag:s14], $0x2000  }
0x157: {  	[sflag:s14] =	ssyncset.done $0x0  }
0x158: {  	s24 =	rddreg [dreg:$0x9];
	[sflag:s14] =	ssyncadd.s32 $0xFFFFE000  }
0x159: {  	[spmem:s2] =	stream.indirect.scatter.add.f32 [tilespmem:s12], [sflag:$0x3], $0x80, s24, s11, $0xb8;
	[tilespmem:$0x18C00] =	vst v63  }
0x15a: {  	_ =	swait.ge [sflag:s9], $0x2000  }
0x15b: {  	[sflag:s9] =	ssyncset.done $0x0  }
0x15c: {  	s7 =	rddreg [dreg:$0xa];
	[sflag:s9] =	ssyncadd.s32 $0xFFFFE000  }
0x15d: {  	[tilespmem:s12], [sflag:$0x1] =	stream.indirect.gather [hbm4b:s4+s11], $0x80, s7, s11, $0xb8;
	[tilespmem:$0x18C00] =	vst v63  }
0x15e: {  	_ =	swait.ge [sflag:s15], $0x2000  }
0x15f: {  	[sflag:s15] =	ssyncset.done $0x0  }
0x160: {  	s8 =	rddreg [dreg:$0xb];
	[sflag:s15] =	ssyncadd.s32 $0xFFFFE000  }
0x161: {  	[spmem:s2] =	stream.indirect.scatter.add.f32 [tilespmem:s13], [sflag:$0x3], $0x80, s8, s11, $0xb8;
	[tilespmem:$0x18C00] =	vst v63  }
0x162: {  	_ =	swait.ge [sflag:s9], $0x2000  }
0x163: {  	[sflag:s9] =	ssyncset.done $0x0  }
0x164: {  	s24 =	rddreg [dreg:$0xc];
	[sflag:s9] =	ssyncadd.s32 $0xFFFFE000  }
0x165: {  	[tilespmem:s13], [sflag:$0x2] =	stream.indirect.gather [hbm4b:s4+s11], $0x80, s24, s11, $0xb8;
	[tilespmem:$0x18C00] =	vst v63  }
0x166: {  	_ =	swait.ge [sflag:s14], $0x2000  }
0x167: {  	[sflag:s14] =	ssyncset.done $0x0  }
0x168: {  	s7 =	rddreg [dreg:$0xd];
	[sflag:s14] =	ssyncadd.s32 $0xFFFFE000  }
0x169: {  	[spmem:s2] =	stream.indirect.scatter.add.f32 [tilespmem:s12], [sflag:$0x3], $0x80, s7, s11, $0xb8;
	[tilespmem:$0x18C00] =	vst v63  }
0x16a: {  	_ =	swait.ge [sflag:s9], $0x2000  }
0x16b: {  	[sflag:s9] =	ssyncset.done $0x0  }
0x16c: {  	s8 =	rddreg [dreg:$0xe];
	[sflag:s9] =	ssyncadd.s32 $0xFFFFE000  }
0x16d: {  	[tilespmem:s12], [sflag:$0x1] =	stream.indirect.gather [hbm4b:s4+s11], $0x80, s8, s11, $0xb8;
	[tilespmem:$0x18C00] =	vst v63  }
0x16e: {  	_ =	swait.ge [sflag:s15], $0x2000  }
0x16f: {  	[sflag:s15] =	ssyncset.done $0x0  }
0x170: {  	s24 =	rddreg [dreg:$0xf];
	[sflag:s15] =	ssyncadd.s32 $0xFFFFE000  }
0x171: {  	[spmem:s2] =	stream.indirect.scatter.add.f32 [tilespmem:s13], [sflag:$0x3], $0x80, s24, s11, $0xb8;
	[tilespmem:$0x18C00] =	vst v63  }
0x172: {  	_ =	swait.ge [sflag:s9], $0x2000  }
0x173: {  	[sflag:s9] =	ssyncset.done $0x0  }
0x174: {  	s7 =	rddreg [dreg:$0x10];
	[sflag:s9] =	ssyncadd.s32 $0xFFFFE000  }
0x175: {  	[tilespmem:s13], [sflag:$0x2] =	stream.indirect.gather [hbm4b:s4+s11], $0x80, s7, s11, $0xb8;
	[tilespmem:$0x18C00] =	vst v63  }
0x176: {  	_ =	swait.ge [sflag:s14], $0x2000  }
0x177: {  	[sflag:s14] =	ssyncset.done $0x0  }
0x178: {  	s8 =	rddreg [dreg:$0x11];
	[sflag:s14] =	ssyncadd.s32 $0xFFFFE000  }
0x179: {  	[spmem:s2] =	stream.indirect.scatter.add.f32 [tilespmem:s12], [sflag:$0x3], $0x80, s8, s11, $0xb8;
	[tilespmem:$0x18C00] =	vst v63  }
0x17a: {  	_ =	swait.ge [sflag:s9], $0x2000  }
0x17b: {  	[sflag:s9] =	ssyncset.done $0x0  }
0x17c: {  	[sflag:s9] =	ssyncadd.s32 $0xFFFFE000  }
0x17d: {  	[tilespmem:s12], [sflag:$0x1] =	stream.indirect.gather [hbm4b:s4+s11], $0x80, s16, s11, $0xb8;
	[tilespmem:$0x18C00] =	vst v63  }
0x17e: {  	_ =	swait.ge [sflag:s15], $0x2000  }
0x17f: {  	[sflag:s15] =	ssyncset.done $0x0  }
0x180: {  	[sflag:s15] =	ssyncadd.s32 $0xFFFFE000  }
0x181: {  	[spmem:s2] =	stream.indirect.scatter.add.f32 [tilespmem:s13], [sflag:$0x3], $0x80, s17, s11, $0xb8;
	[tilespmem:$0x18C00] =	vst v63  }
0x182: {  	_ =	swait.ge [sflag:s9], $0x2000  }
0x183: {  	[sflag:s9] =	ssyncset.done $0x0  }
0x184: {  	[sflag:s9] =	ssyncadd.s32 $0xFFFFE000  }
0x185: {  	[tilespmem:s13], [sflag:$0x2] =	stream.indirect.gather [hbm4b:s4+s11], $0x80, s18, s11, $0xb8;
	[tilespmem:$0x18C00] =	vst v63  }
0x186: {  	_ =	swait.ge [sflag:s14], $0x2000  }
0x187: {  	[sflag:s14] =	ssyncset.done $0x0  }
0x188: {  	[sflag:s14] =	ssyncadd.s32 $0xFFFFE000  }
0x189: {  	[spmem:s2] =	stream.indirect.scatter.add.f32 [tilespmem:s12], [sflag:$0x3], $0x80, s19, s11, $0xb8;
	[tilespmem:$0x18C00] =	vst v63  }
0x18a: {  	_ =	swait.ge [sflag:s9], $0x2000  }
0x18b: {  	[sflag:s9] =	ssyncset.done $0x0  }
0x18c: {  	[sflag:s9] =	ssyncadd.s32 $0xFFFFE000  }
0x18d: {  	[tilespmem:s12], [sflag:$0x1] =	stream.indirect.gather [hbm4b:s4+s11], $0x80, s20, s11, $0xb8;
	[tilespmem:$0x18C00] =	vst v63  }
0x18e: {  	_ =	swait.ge [sflag:s15], $0x2000  }
0x18f: {  	[sflag:s15] =	ssyncset.done $0x0  }
0x190: {  	[sflag:s15] =	ssyncadd.s32 $0xFFFFE000  }
0x191: {  	[spmem:s2] =	stream.indirect.scatter.add.f32 [tilespmem:s13], [sflag:$0x3], $0x80, s21, s11, $0xb8;
	[tilespmem:$0x18C00] =	vst v63  }
0x192: {  	_ =	swait.ge [sflag:s9], $0x2000  }
0x193: {  	[sflag:s9] =	ssyncset.done $0x0  }
0x194: {  	[sflag:s9] =	ssyncadd.s32 $0xFFFFE000  }
0x195: {  	[tilespmem:s13], [sflag:$0x2] =	stream.indirect.gather [hbm4b:s4+s11], $0x80, s22, s11, $0xb8;
	[tilespmem:$0x18C00] =	vst v63  }
0x196: {  	_ =	swait.ge [sflag:s14], $0x2000  }
0x197: {  	[sflag:s14] =	ssyncset.done $0x0  }
0x198: {  	[sflag:s14] =	ssyncadd.s32 $0xFFFFE000  }
0x199: {  	[spmem:s2] =	stream.indirect.scatter.add.f32 [tilespmem:s12], [sflag:$0x3], $0x80, s23, s11, $0xb8;
	[tilespmem:$0x18C00] =	vst v63  }
0x19a: {  	_ =	swait.ge [sflag:s9], $0x2000  }
0x19b: {  	[sflag:s9] =	ssyncset.done $0x0  }
0x19c: {  	[sflag:s9] =	ssyncadd.s32 $0xFFFFE000  }
0x19d: {  	[tilespmem:s12], [sflag:$0x1] =	stream.indirect.gather [hbm4b:s4+s11], $0x80, s25, s11, $0xb8;
	[tilespmem:$0x18C00] =	vst v63  }
0x19e: {  	_ =	swait.ge [sflag:s15], $0x2000  }
0x19f: {  	[sflag:s15] =	ssyncset.done $0x0  }
0x1a0: {  	[sflag:s15] =	ssyncadd.s32 $0xFFFFE000  }
0x1a1: {  	[spmem:s2] =	stream.indirect.scatter.add.f32 [tilespmem:s13], [sflag:$0x3], $0x80, s26, s11, $0xb8;
	[tilespmem:$0x18C00] =	vst v63  }
0x1a2: {  	_ =	swait.ge [sflag:s9], $0x2000  }
0x1a3: {  	[sflag:s9] =	ssyncset.done $0x0  }
0x1a4: {  	[sflag:s9] =	ssyncadd.s32 $0xFFFFE000  }
0x1a5: {  	[tilespmem:s13], [sflag:$0x2] =	stream.indirect.gather [hbm4b:s4+s11], $0x80, s28, s11, $0xb8;
	[tilespmem:$0x18C00] =	vst v63  }
0x1a6: {  	_ =	swait.ge [sflag:s14], $0x2000  }
0x1a7: {  	[sflag:s14] =	ssyncset.done $0x0  }
0x1a8: {  	[sflag:s14] =	ssyncadd.s32 $0xFFFFE000  }
0x1a9: {  	[spmem:s2] =	stream.indirect.scatter.add.f32 [tilespmem:s12], [sflag:$0x3], $0x80, s29, s11, $0xb8;
	[tilespmem:$0x18C00] =	vst v63  }
0x1aa: {  	_ =	swait.ge [sflag:s9], $0x2000  }
0x1ab: {  	[sflag:s9] =	ssyncset.done $0x0  }
0x1ac: {  	[sflag:s9] =	ssyncadd.s32 $0xFFFFE000  }
0x1ad: {  	[tilespmem:s12], [sflag:$0x1] =	stream.indirect.gather [hbm4b:s4+s11], $0x80, s30, s11, $0xb8;
	[tilespmem:$0x18C00] =	vst v63  }
0x1ae: {  	_ =	swait.ge [sflag:s15], $0x2000  }
0x1af: {  	[sflag:s15] =	ssyncset.done $0x0  }
0x1b0: {  	[sflag:s15] =	ssyncadd.s32 $0xFFFFE000  }
0x1b1: {  	[spmem:s2] =	stream.indirect.scatter.add.f32 [tilespmem:s13], [sflag:$0x3], $0x80, s31, s11, $0xb8;
	[tilespmem:$0x18C00] =	vst v63  }
0x1b2: {  	_ =	swait.ge [sflag:s9], $0x2000  }
0x1b3: {  	[sflag:s9] =	ssyncset.done $0x0  }
0x1b4: {  	[sflag:s9] =	ssyncadd.s32 $0xFFFFE000  }
0x1b5: {  	[tilespmem:s13], [sflag:$0x2] =	stream.indirect.gather [hbm4b:s4+s11], $0x80, s0, s11, $0xb8;
	[tilespmem:$0x18C00] =	vst v63  }
0x1b6: {  	_ =	swait.ge [sflag:s14], $0x2000  }
0x1b7: {  	[sflag:s14] =	ssyncset.done $0x0  }
0x1b8: {  	[sflag:s14] =	ssyncadd.s32 $0xFFFFE000  }
0x1b9: {  	[spmem:s2] =	stream.indirect.scatter.add.f32 [tilespmem:s12], [sflag:$0x3], $0x80, s1, s11, $0xb8;
	[tilespmem:$0x18C00] =	vst v63  }
0x1ba: {  	_ =	swait.ge [sflag:s9], $0x2000  }
0x1bb: {  	[sflag:s9] =	ssyncset.done $0x0  }
0x1bc: {  	[sflag:s9] =	ssyncadd.s32 $0xFFFFE000  }
0x1bd: {  	_ =	swait.ge [sflag:s15], $0x2000  }
0x1be: {  	[sflag:s15] =	ssyncset.done $0x0  }
0x1bf: {  	[sflag:s15] =	ssyncadd.s32 $0xFFFFE000  }
0x1c0: {  	[spmem:s2] =	stream.indirect.scatter.add.f32 [tilespmem:s13], [sflag:$0x3], $0x80, s5, s11, $0xb8;
	[tilespmem:$0x18C00] =	vst v63  }
0x1c1: {  	_ =	swait.ge [sflag:s9], $0x2000  }
0x1c2: {  	[sflag:s9] =	ssyncset.done $0x0  }
0x1c3: {  	[sflag:s9] =	ssyncadd.s32 $0xFFFFE000  }
0x1c4: {  	[bflag:$0x0] =	sbarrier.arrive $0xFFFF  }
0x1c5: {  	s8 =	rddreg [dreg:$0x13]  }
0x1c6: {  	s7 =	rddreg [dreg:$0x15]  }
0x1c7: {  	s24 =	rddreg [dreg:$0x16]  }
0x1c8: {  	[hbm:s24], [sflag:s8] =	dma.local [spmem:s7], $0x2780  }
0x1c9: {  	_ =	swait.ge [sflag:s9], $0x2780  }
0x1ca: {  	s6 =	rddreg [dreg:$0x17]  }
0x1cb: {  	s24 =	sadd.s32 $0x1, s6;
	s6 =	rddreg [dreg:$0x14]  }
0x1cc: {  	p0 =	sne.s32 s24, s6  }
.Ltmp1:
0x1cd: {  	_ = 	snop;
	(pc) =	sbr.rel @p0 .LBB2_1-.Ltmp1, $3  }
0x1ce: {  	_ =	sdelay $0x1  }
0x1cf: {  	[sflag:s9] =	ssyncset.done $0x0  }
0x1d0: {  	[sflag:s9] =	ssyncadd.s32 $0xFFFFD880  }
0x1d1: {  	_ =	sfence.sel $0x180000  }
0x1d2: {  	[bflag:$0x0] =	sbarrier.arrive $0xFFFF  }
0x1d3: {  	_ =	strace $0x9000004D  }
0x1d4: {  	s0 =	stileid.u32;
	[bflag:$0x2] =	sbarrier.arrive $0xFFFF  }
0x1d5: {  	p0 =	sne.s32 s0, $0x0;
	s0 =	rddreg [dreg:$0x2]  }
0x1d6: {  	s0 =	sadd.s32 @!p0 $0x100000, s0  }
0x1d7: {  	[sflag:s0] =	ssyncadd.tile.s32 @!p0 $0x1;
	_ =	shalt  }
.Lfunc_end2:
_tile_overlayer_lowered:
.L_overlay_start_2:
0x1d8: {  	(tag) =	ssettag $0x2  }
0x1d9: {  	s0 =	rddreg [dreg:$0x0];
	s2 =	stileid.u32  }
0x1da: {  	s1 =	rddreg [dreg:$0x1];
	p0 =	sne.s32 s2, $0x0  }
0x1db: {  	s3 =	rddreg [dreg:$0x2];
	[bflag:$0x3] =	sbarrier.arrive $0xFFFF;
	s2 =	simm.s32 @!p0 $0x1C03  }
0x1dc: {  	[timem:s3], [sflag:s2] =	dma.local @!p0 [hbm:s0], s1  }
0x1dd: {  	s0 =	simm.s32 @!p0 $0x3  }
0x1de: {  	_ =	swait.ge @!p0 [sflag:s0], s1  }
0x1df: {  	s1 =	ssub.s32 @!p0 $0x0, s1;
	[sflag:s0] =	ssyncset.done @!p0 $0x0  }
0x1e0: {  	[sflag:s0] =	ssyncadd.s32 @!p0 s1  }
0x1e1: {  	[bflag:$0x3] =	sbarrier.arrive $0xFFFF  }
0x1e2: {  	_ =	shalt  }

// kernel: kernel.8.cloned.1.call-start
scs
__scs_entry_jumppad:
0x0: {  	(pc) =	sbr.rel $0x88, $3  }
0x1: {  	(tag) =	ssettag $0x0;
	lr =	simm.s32 $0x1  }
0x2: {  	[smem:$0x3F99] =	sst lr;
	_ =	strace $0xD0000000  }
0x3: {  	_ = 	snop  }
0x4: {  	_ = 	snop  }
0x5: {  	_ = 	snop  }
0x6: {  	_ = 	snop  }
0x7: {  	_ = 	snop  }
__scs_overlays_trampoline_lowered:
0x8: {  	[smem:$0x3FA8] =	sst s0  }
0x9: {  	[smem:$0x3FA9] =	sst s1  }
0xa: {  	[smem:$0x3FAA] =	sst s2  }
0xb: {  	[smem:$0x3FAB] =	sst s3  }
0xc: {  	[smem:$0x3FAC] =	sst s4  }
0xd: {  	[smem:$0x3FAD] =	sst s5  }
0xe: {  	[smem:$0x3FAE] =	sst s6  }
0xf: {  	[smem:$0x3FAF] =	sst s7  }
0x10: {  	[smem:$0x3FB0] =	sst s8  }
0x11: {  	[smem:$0x3FB1] =	sst s9;
	s0 =	simm.s32 @!p0 $0x0  }
0x12: {  	s1 =	sld [smem:$0x3F97];
	s0 =	simm.s32 @p0 $0x1  }
0x13: {  	[smem:$0x3FB2] =	sst s0;
	s0 =	simm.s32 @!p1 $0x0  }
0x14: {  	s2 =	sld [smem:$0x3F96];
	s0 =	simm.s32 @p1 $0x1  }
0x15: {  	[smem:$0x3FB3] =	sst s0;
	s0 =	simm.s32 @!p2 $0x0  }
0x16: {  	s3 =	sld [smem:$0x3FDB];
	s0 =	simm.s32 @p2 $0x1  }
0x17: {  	s4 =	simm.s32 $0x1BF5;
	[smem:$0x3FB5] =	sst s0  }
0x18: {  	s0 =	sld [smem:$0x3F98];
	_ =	swait.ge [sflag:s4], $0x0  }
0x19: {  	s7 =	sld [smem:$0x3F99]  }
0x1a: {  	s8 =	sadd.s32 $0xFFFFE003, lr  }
0x1b: {  	s9 =	sadd.s32 $0xFFFFFEF7, lr;
	s5 =	simm.s32 $0xFFFFFFFF;
	p2 =	slt.u32 s8, $0xFFFFF086  }
0x1c: {  	p1 =	slt.u32 s9, $0xF7A;
	s5 =	simm.s32 @!p2 $0x0  }
0x1d: {  	s5 =	simm.s32 @p1 $0x1;
	p0 =	seq.s32 s7, s2  }
0x1e: {  	s7 =	smul.u32 @!p0 $0xF7A, s2;
	p2 =	seq.s32 @!p0 s5, $0x0  }
0x1f: {  	s9 =	smul.u32 $0xF7A, s1;
	s8 =	simm.s32 @!p0 $0x1BF5;
	p2 =	por !p2, p0  }
0x20: {  	[sflag:s8] =	ssyncset.s32 @!p0 $0xFFFFF086;
	s6 =	sadd.s32 @!p0 s3, s7;
	s7 =	simm.s32 @!p0 $0x108  }
0x21: {  	s3 =	sadd.s32 s3, s9;
	s6 =	sadd.s32 @!p0 $0x88, s6;
	s7 =	simm.s32 @p2 $0x1082  }
0x22: {  	[simem:s7], [sflag:s8] =	dma.local @!p0 [hbm:s6], $0xF7A  }
0x23: {  	s9 =	sor.u32 $0xD0000000, s2;
	s6 =	simm.s32 $0x108;
	_ =	swait.ge @!p0 [sflag:s8], $0x0  }
0x24: {  	s3 =	sadd.s32 $0x88, s3;
	s6 =	simm.s32 @!p1 $0x1082;
	[sflag:s4] =	ssyncset.s32 $0xFFFFF086  }
0x25: {  	[simem:s6], [sflag:s4] =	dma.local [hbm:s3], $0xF7A  }
0x26: {  	[smem:$0x3F99] =	sst s1;
	(tag) =	ssettag s2;
	_ =	strace s9  }
0x27: {  	s1 =	sld [smem:$0x3FA9]  }
0x28: {  	s2 =	sld [smem:$0x3FAA]  }
0x29: {  	s4 =	sld [smem:$0x3FAC]  }
0x2a: {  	p0 =	seq.s32 s5, $0x0;
	s5 =	sld [smem:$0x3FAD]  }
0x2b: {  	s6 =	sld [smem:$0x3FAE]  }
0x2c: {  	s7 =	sld [smem:$0x3FAF]  }
0x2d: {  	s3 =	simm.s32 $0x108;
	s8 =	sld [smem:$0x3FB0]  }
0x2e: {  	s3 =	simm.s32 @!p0 $0x1082;
	s9 =	sld [smem:$0x3FB1]  }
0x2f: {  	lr =	sadd.s32 s0, s3;
	s0 =	sld [smem:$0x3FA8]  }
0x30: {  	s3 =	sld [smem:$0x3FAB]  }
0x31: {  	[smem:$0x3FB4] =	sst s10  }
0x32: {  	s10 =	sld [smem:$0x3FB2];
	_ =	sdelay $0x3  }
0x33: {  	p0 =	seq.s32 s10, $0x1;
	s10 =	sld [smem:$0x3FB4];
	_ =	sdelay $0x3  }
0x34: {  	[smem:$0x3FB4] =	sst s10  }
0x35: {  	s10 =	sld [smem:$0x3FB3];
	_ =	sdelay $0x3  }
0x36: {  	p1 =	seq.s32 s10, $0x1;
	s10 =	sld [smem:$0x3FB4];
	_ =	sdelay $0x3  }
0x37: {  	[smem:$0x3FB4] =	sst s10  }
0x38: {  	s10 =	sld [smem:$0x3FB5]  }
0x39: {  	_ = 	snop;
	(pc) =	sbr.ind lr, $3  }
0x3a: {  	_ = 	snop  }
0x3b: {  	_ = 	snop  }
0x3c: {  	p2 =	seq.s32 s10, $0x1;
	s10 =	sld [smem:$0x3FB4]  }
0x3d: {  	_ =	shalt  }
0x3e: {  	_ =	shalt  }
0x3f: {  	_ =	shalt  }
0x40: {  	_ =	shalt  }
0x41: {  	_ =	shalt  }
0x42: {  	_ =	shalt  }
0x43: {  	_ =	shalt  }
0x44: {  	_ =	shalt  }
0x45: {  	_ =	shalt  }
0x46: {  	_ =	shalt  }
0x47: {  	_ =	shalt  }
0x48: {  	_ =	shalt  }
0x49: {  	_ =	shalt  }
0x4a: {  	_ =	shalt  }
0x4b: {  	_ =	shalt  }
0x4c: {  	_ =	shalt  }
0x4d: {  	_ =	shalt  }
0x4e: {  	_ =	shalt  }
0x4f: {  	_ =	shalt  }
0x50: {  	_ =	shalt  }
0x51: {  	_ =	shalt  }
0x52: {  	_ =	shalt  }
0x53: {  	_ =	shalt  }
0x54: {  	_ =	shalt  }
0x55: {  	_ =	shalt  }
0x56: {  	_ =	shalt  }
0x57: {  	_ =	shalt  }
0x58: {  	_ =	shalt  }
0x59: {  	_ =	shalt  }
0x5a: {  	_ =	shalt  }
0x5b: {  	_ =	shalt  }
0x5c: {  	_ =	shalt  }
0x5d: {  	_ =	shalt  }
0x5e: {  	_ =	shalt  }
0x5f: {  	_ =	shalt  }
0x60: {  	_ =	shalt  }
0x61: {  	_ =	shalt  }
0x62: {  	_ =	shalt  }
0x63: {  	_ =	shalt  }
0x64: {  	_ =	shalt  }
0x65: {  	_ =	shalt  }
0x66: {  	_ =	shalt  }
0x67: {  	_ =	shalt  }
0x68: {  	_ =	shalt  }
0x69: {  	_ =	shalt  }
0x6a: {  	_ =	shalt  }
0x6b: {  	_ =	shalt  }
0x6c: {  	_ =	shalt  }
0x6d: {  	_ =	shalt  }
0x6e: {  	_ =	shalt  }
0x6f: {  	_ =	shalt  }
0x70: {  	_ =	shalt  }
0x71: {  	_ =	shalt  }
0x72: {  	_ =	shalt  }
0x73: {  	_ =	shalt  }
0x74: {  	_ =	shalt  }
0x75: {  	_ =	shalt  }
0x76: {  	_ =	shalt  }
0x77: {  	_ =	shalt  }
0x78: {  	_ =	shalt  }
0x79: {  	_ =	shalt  }
0x7a: {  	_ =	shalt  }
0x7b: {  	_ =	shalt  }
0x7c: {  	_ =	shalt  }
0x7d: {  	_ =	shalt  }
0x7e: {  	_ =	shalt  }
0x7f: {  	_ =	shalt  }
0x80: {  	_ =	shalt  }
0x81: {  	_ =	shalt  }
0x82: {  	_ =	shalt  }
0x83: {  	_ =	shalt  }
0x84: {  	_ =	shalt  }
0x85: {  	_ =	shalt  }
0x86: {  	_ =	shalt  }
0x87: {  	_ =	shalt  }
.Lfunc_end0:
.L_simem_size_0:
called_computation_lowered:
.L_overlay_start_0:
0x88: {  	s2 =	sld [smem:$0x3FD9]  }
0x89: {  	s3 =	sld [smem:$0x3FFE];
	_ =	sdelay $0x1  }
0x8a: {  	s1 =	srdreg.scid  }
0x8b: {  	s0 =	sand.u32 $0x1, s1  }
0x8c: {  	s17 =	sshll.u32 s0, $0xA;
	s2 =	sadd.s32 s3, s2  }
0x8d: {  	s2 =	sadd.s32 s2, s17  }
0x8e: {  	[smem:$0x3FC0] =	sst s2  }
0x8f: {  	_ = 	snop  }
0x90: {  	s2 =	sld [smem:$0x3FD0];
	(tm) =	ssettm $0x1  }
0x91: {  	s18 =	sld [smem:$0x3FFB];
	_ =	sdelay $0x3  }
0x92: {  	_ =	strace s18  }
0x93: {  	s3 =	sld [smem:$0x3FFC];
	_ =	sdelay $0x3  }
0x94: {  	_ =	strace s3  }
0x95: {  	s3 =	sld [smem:$0x3FFD];
	_ =	sdelay $0x3  }
0x96: {  	_ =	strace s3  }
0x97: {  	_ =	strace $0x8FFFFFFF  }
0x98: {  	s19 =	sld [smem:$0x3FDB];
	_ =	sdelay $0x1  }
0x99: {  	s4 =	simm.s32 $_scs_section_size  }
0x9a: {  	s5 =	simm.s32 $_size__tile_overlayer_lowered;
	s6 =	simm.s32 $_tile_overlayer_lowered  }
0x9b: {  	s22 =	simm.s32 $0x1BFF;
	s21 =	sshll.u32 s6, $0x1;
	s3 =	sadd.s32 s4, s19  }
0x9c: {  	s7 =	simm.s32 $0x0;
	s20 =	sshll.u32 s5, $0x1;
	s5 =	sadd.s32 s21, s3  }
0x9d: {  	[timem:s7], [sflag:s22] =	dma.local [hbm:s5], s20  }
0x9e: {  	_ =	swait.ge [sflag:s22], s20  }
0x9f: {  	s4 =	ssub.s32 $0x0, s20;
	[sflag:s22] =	ssyncset.done $0x0  }
0xa0: {  	[sflag:s22] =	ssyncadd.s32 s4;
	_ =	sdelay $0x1  }
0xa1: {  	s23 =	simm.s32 $0x1B8B  }
0xa2: {  	_ =	swait.ge [sflag:s23], $0x1  }
0xa3: {  	[sflag:s23] =	ssyncset.done $0x0  }
0xa4: {  	s25 =	simm.s32 $0x1B8E;
	s24 =	sld [smem:$0x3FFE];
	[sflag:s23] =	ssyncadd.s32 $0xFFFFFFFF  }
0xa5: {  	s26 =	simm.s32 $execute0_lowered;
	[smem:$0x3FD2] =	sst s25  }
0xa6: {  	s5 =	sshll.u32 s26, $0x1;
	_ =	strace $0x80000046;
	[dreg:$0x1] =	wrdreg $0xFFFFFFFF  }
0xa7: {  	s28 =	simm.s32 $_size_execute0_lowered;
	s3 =	sadd.s32 s3, s5;
	[dreg:$0x0] =	wrdreg $0x0  }
0xa8: {  	s5 =	sshll.u32 s28, $0x1;
	[dreg:$0x2] =	wrdreg s3  }
0xa9: {  	[dreg:$0x3] =	wrdreg s5  }
0xaa: {  	[dreg:$0x4] =	wrdreg $0xC0  }
0xab: {  	_ =	task [dreg:s7], $0x5FFFF  }
0xac: {  	[dreg:$0x1] =	wrdreg $0xFFFFFFFF  }
0xad: {  	[dreg:$0x0] =	wrdreg $0x60  }
0xae: {  	[dreg:$0x2] =	wrdreg s24  }
0xaf: {  	[dreg:$0x3] =	wrdreg s2  }
0xb0: {  	[dreg:$0x4] =	wrdreg $0x70000  }
0xb1: {  	[dreg:$0x5] =	wrdreg $0x9  }
0xb2: {  	_ =	task.clear_ibuf [dreg:s7], $0x6FFFF;
	_ =	strace $0x90000046  }
0xb3: {  	s29 =	simm.s32 $0x9;
	_ =	strace $0x80000048  }
0xb4: {  	_ =	swait.ge [sflag:s29], $0x1  }
0xb5: {  	[sflag:s29] =	ssyncadd.s32 $0xFFFFFFFF  }
0xb6: {  	_ =	strace $0x90000048  }
0xb7: {  	_ =	sfence  }
0xb8: {  	s30 =	sld [smem:$0x0];
	_ =	sdelay $0x2  }
0xb9: {  	s31 =	sshll.u32 s1, $0xD;
	s1 =	sshrl.u32 s1, $0x2  }
0xba: {  	s3 =	sand.u32 $0x4000, s31;
	s1 =	sadd.s32 s1, s30  }
0xbb: {  	s0 =	sor.u32 s3, s0;
	s1 =	sshll.u32 s1, $0x11  }
0xbc: {  	s0 =	sor.u32 s1, s0  }
0xbd: {  	s0 =	sadd.s32 $0x8F2B, s0  }
0xbe: {  	[sflag:s0] =	ssyncadd.remote.s32 $0x1  }
0xbf: {  	_ =	sfence.sel $0xFFFF  }
0xc0: {  	[dreg:$0x0] =	wrdreg $0xFFFFFFFF;
	(pc) =	sbr.abs _section_cstart, $3  }
0xc1: {  	[dreg:$0x1] =	wrdreg $0xFFFFFFFF  }
0xc2: {  	_ =	task.clear_ibuf [dreg:s7], $0x2FFFF;
	_ =	strace $0x9FFFFFFF  }
0xc3: {  	(tm) =	ssettm $0x7FFFFFFF  }
tec
execute0_lowered:
.L_overlay_start_1:
0x0: {  	(tag) =	ssettag $0x1  }
0x1: {  	s5 =	rddreg [dreg:$0x0]  }
0x2: {  	s2 =	rddreg [dreg:$0x1]  }
0x3: {  	s0 =	srdreg.scid;
	s3 =	rddreg [dreg:$0x2]  }
0x4: {  	s4 =	simm.s32 $0x0;
	s6 =	sand.u32 $0x1, s0;
	s0 =	stileid.u32  }
0x5: {  	[smem:$0x7FF] =	sst s4;
	s13 =	smul.u32 $0x2780, s0  }
0x6: {  	s1 =	sshll.u32 s6, $0x4;
	s8 =	smul.u32 $0x27800, s6;
	s6 =	ssub.s32 $0x2, s6  }
0x7: {  	s9 =	smul.u32 $0x4F000, s0;
	s31 =	sshll.u32 s0, $0x6;
	s7 =	sor.u32 s0, s1  }
0x8: {  	s1 =	rddreg [dreg:$0x3];
	_ =	strace $0x80000047;
	s29 =	sshrl.u32 s6, $0x1  }
0x9: {  	s7 =	smul.u32 $0xA00, s7;
	s10 =	sadd.s32 s13, s5;
	s8 =	sadd.s32 s8, s5  }
0xa: {  	s11 =	ssub.s32 s6, s29;
	s30 =	sshrl.u32 s9, $0x2;
	s9 =	simm.s32 $0x5000  }
0xb: {  	s12 =	sadd.s32 s30, s3;
	s6 =	sadd.s32 $0x16000, s10;
	s14 =	sadd.s32 $0x3D800, s8  }
0xc: {  	s8 =	simm.s32 $0x1;
	s10 =	sor.u32 $0x1C01, s31;
	s7 =	sadd.s32 s7, s5  }
0xd: {  	s13 =	sadd.s32 s13, s14;
	s14 =	simm.s32 $0x0;
	s5 =	sadd.s32 $0x2000, s7  }
0xe: {  	s7 =	smax.u32 s11, $0x1;
	s11 =	sshrl.u32 s12, $0x3;
	s12 =	simm.s32 $0x40  }
.LBB2_1:
0xf: {  	[tilespmem:s4], [sflag:$0x1] =	stream.linear.gather [hbm4b:s5+s4], $0x5000, $0x38;
	[tilespmem:$0x1AC00] =	vst v63  }
0x10: {  	_ =	swait.ge [sflag:s8], $0x5000  }
0x11: {  	[sflag:s8] =	ssyncset.done $0x0  }
0x12: {  	[sflag:s8] =	ssyncadd.s32 $0xFFFFB000  }
0x13: {  	[tilespmem:s9], [sflag:$0x1] =	stream.linear.gather [hbm4b:s2+s4], $0x2000, $0x38;
	[tilespmem:$0x1AC00] =	vst v63  }
0x14: {  	_ =	swait.ge [sflag:s8], $0x2000  }
0x15: {  	[sflag:s8] =	ssyncset.done $0x0  }
0x16: {  	[sflag:s8] =	ssyncadd.s32 $0xFFFFE000  }
0x17: {  	[spmem:s11], [sflag:s10] =	dma.local [hbm:s6], $0x2780  }
0x18: {  	_ =	swait.ge [sflag:s8], $0x2780  }
0x19: {  	[sflag:s8] =	ssyncset.done $0x0  }
0x1a: {  	[sflag:s8] =	ssyncadd.s32 $0xFFFFD880  }
0x1b: {  	s15 =	simm.s32 $0x0;
	[bflag:$0x0] =	sbarrier.arrive $0xFFFF  }
0x1c: {  	[spmem:s3] =	stream.indirect.scatter.add.f32 [tilespmem:s9], [sflag:$0x1], $0x80, s15, s12, $0xb8;
	[tilespmem:$0x1AC00] =	vst v63  }
0x1d: {  	_ =	swait.ge [sflag:s8], $0x2000  }
0x1e: {  	s15 =	simm.s32 $0x200;
	[sflag:s8] =	ssyncset.done $0x0  }
.LBB2_2:
0x1f: {  	s16 =	sshra.s32 s15, $0x2;
	[sflag:s8] =	ssyncadd.s32 $0xFFFFE000;
	p0 =	sne.s32 s15, $0x13E00  }
0x20: {  	[spmem:s3] =	stream.indirect.scatter.add.f32 [tilespmem:s9], [sflag:$0x1], $0x80, s16, s12, $0xb8;
	[tilespmem:$0x1AC00] =	vst v63  }
.Ltmp0:
0x21: {  	_ = 	snop;
	(pc) =	sbr.rel @p0 .LBB2_2-.Ltmp0, $4  }
0x22: {  	_ = 	snop  }
0x23: {  	s15 =	sadd.s32 $0x200, s15  }
0x24: {  	_ =	swait.ge [sflag:s8], $0x2000  }
0x25: {  	[sflag:s8] =	ssyncset.done $0x0  }
0x26: {  	s14 =	sadd.s32 $0x1, s14  }
0x27: {  	[sflag:s8] =	ssyncadd.s32 $0xFFFFE000;
	p0 =	sne.s32 s14, s7  }
.Ltmp1:
0x28: {  	[bflag:$0x0] =	sbarrier.arrive $0xFFFF;
	(pc) =	sbr.rel @p0 .LBB2_1-.Ltmp1, $4  }
0x29: {  	[hbm:s13], [sflag:s10] =	dma.local [spmem:s11], $0x2780  }
0x2a: {  	_ =	swait.ge [sflag:s8], $0x2780  }
0x2b: {  	[sflag:s8] =	ssyncset.done $0x0  }
0x2c: {  	[sflag:s8] =	ssyncadd.s32 $0xFFFFD880  }
0x2d: {  	_ =	sfence.sel $0x180000  }
0x2e: {  	[bflag:$0x0] =	sbarrier.arrive $0xFFFF  }
0x2f: {  	p0 =	sne.s32 s0, $0x0;
	_ =	strace $0x90000047  }
0x30: {  	s0 =	sadd.s32 @!p0 $0x100000, s1;
	[bflag:$0x2] =	sbarrier.arrive $0xFFFF  }
0x31: {  	[sflag:s0] =	ssyncadd.tile.s32 @!p0 $0x1;
	_ =	shalt  }
.Lfunc_end2:
_tile_overlayer_lowered:
.L_overlay_start_2:
0x32: {  	(tag) =	ssettag $0x2  }
0x33: {  	s0 =	rddreg [dreg:$0x0];
	s2 =	stileid.u32  }
0x34: {  	s1 =	rddreg [dreg:$0x1];
	p0 =	sne.s32 s2, $0x0  }
0x35: {  	s3 =	rddreg [dreg:$0x2];
	[bflag:$0x3] =	sbarrier.arrive $0xFFFF;
	s2 =	simm.s32 @!p0 $0x1C01  }
0x36: {  	[timem:s3], [sflag:s2] =	dma.local @!p0 [hbm:s0], s1  }
0x37: {  	s0 =	simm.s32 @!p0 $0x1  }
0x38: {  	_ =	swait.ge @!p0 [sflag:s0], s1  }
0x39: {  	s1 =	ssub.s32 @!p0 $0x0, s1;
	[sflag:s0] =	ssyncset.done @!p0 $0x0  }
0x3a: {  	[sflag:s0] =	ssyncadd.s32 @!p0 s1  }
0x3b: {  	[bflag:$0x3] =	sbarrier.arrive $0xFFFF  }
0x3c: {  	_ =	shalt  }

</sc_bundles>
